<compile_context>
chip_gen: v7x
topology: tpu7x:2x2x1
jax: 0.10.2.dev20260603
libtpu: 0.0.44.dev20260713+nightly
codegen_flags: <defaults>
</compile_context>

<pallas_src>
import functools

import jax
import jax.numpy as jnp
from jax import lax
from jax.experimental import pallas as pl
from jax.experimental.pallas import tpu as pltpu
from jax.experimental.pallas import tpu_sc as plsc

B, L, V, D, H = 16, 512, 32000, 256, 256
TCH = 128
NT = L // TCH
UNROLL = 8


@functools.lru_cache(maxsize=None)
def _make_sc_gather(n_idx, d):
    info = plsc.get_sparse_core_info()
    nw = info.num_cores * info.num_subcores
    per_w = n_idx // nw
    mesh = plsc.VectorSubcoreMesh(core_axis_name="c", subcore_axis_name="s")

    @functools.partial(
        pl.kernel,
        mesh=mesh,
        out_type=jax.ShapeDtypeStruct((n_idx, d), jnp.float32),
        scratch_types=[
            pltpu.VMEM((per_w,), jnp.int32),
            pltpu.VMEM((per_w, d), jnp.float32),
            pltpu.SemaphoreType.DMA,
        ],
    )
    def gather_k(table_hbm, idx_hbm, out_hbm, idx_v, rows_v, sem):
        wid = lax.axis_index("s") * info.num_cores + lax.axis_index("c")
        base = wid * per_w
        pltpu.sync_copy(idx_hbm.at[pl.ds(base, per_w)], idx_v)
        pltpu.async_copy(table_hbm.at[idx_v], rows_v, sem).wait()
        pltpu.sync_copy(rows_v, out_hbm.at[pl.ds(base, per_w)])

    return gather_k


def _gru_body(sl_ref, emb_ref, wih_ref, whh_ref, bih_ref, bhh_ref,
              out_ref, last_ref, gi_ref, h_ref):
    t = pl.program_id(0)

    @pl.when(t == 0)
    def _():
        h_ref[...] = jnp.zeros_like(h_ref)

    gi_ref[...] = (
        jnp.dot(emb_ref[...], wih_ref[...], preferred_element_type=jnp.float32)
        + bih_ref[...]
    )

    whh = whh_ref[...]
    bhn = bhh_ref[...]
    sl = sl_ref[...]

    def one_step(j, h):
        gi = gi_ref[pl.ds(j * B, B), :]
        gh = jnp.dot(h.astype(jnp.bfloat16), whh,
                     preferred_element_type=jnp.float32)
        r = jax.nn.sigmoid(gi[:, 0:H] + gh[:, 0:H])
        z = jax.nn.sigmoid(gi[:, H:2 * H] + gh[:, H:2 * H])
        n = jnp.tanh(gi[:, 2 * H:3 * H] + r * (gh[:, 2 * H:3 * H] + bhn))
        h_new = n + z * (h - n)
        mt = ((t * TCH + j) < sl).astype(jnp.float32)
        out = mt * h_new
        out_ref[:, pl.ds(j, 1), :] = out[:, None, :]
        return h + mt * (h_new - h)

    def stepu(g, h):
        for u in range(UNROLL):
            h = one_step(g * UNROLL + u, h)
        return h

    def zero_step(g, _):
        out_ref[:, pl.ds(g, 1), :] = jnp.zeros((B, 1, H), jnp.float32)
        return 0

    maxl = jnp.max(sl)
    live = jnp.clip(maxl - t * TCH, 0, TCH)
    nblk = (live + (UNROLL - 1)) // UNROLL
    h = lax.fori_loop(0, nblk, stepu, h_ref[...])
    lax.fori_loop(nblk * UNROLL, TCH, zero_step, 0)
    h_ref[...] = h
    last_ref[...] = h


def _gru_call(sl_b, emb_tm, wih_t, whh_t, bih, bhh, interpret=False):
    return pl.pallas_call(
        _gru_body,
        grid=(NT,),
        in_specs=[
            pl.BlockSpec((B, H), lambda t: (0, 0)),
            pl.BlockSpec((TCH * B, D), lambda t: (t, 0)),
            pl.BlockSpec((D, 3 * H), lambda t: (0, 0)),
            pl.BlockSpec((H, 3 * H), lambda t: (0, 0)),
            pl.BlockSpec((1, 3 * H), lambda t: (0, 0)),
            pl.BlockSpec((1, H), lambda t: (0, 0)),
        ],
        out_specs=(
            pl.BlockSpec((B, TCH, H), lambda t: (0, t, 0)),
            pl.BlockSpec((B, H), lambda t: (0, 0)),
        ),
        out_shape=(
            jax.ShapeDtypeStruct((B, L, H), jnp.float32),
            jax.ShapeDtypeStruct((B, H), jnp.float32),
        ),
        scratch_shapes=[
            pltpu.VMEM((TCH * B, 3 * H), jnp.float32),
            pltpu.VMEM((B, H), jnp.float32),
        ],
        interpret=interpret,
    )(sl_b, emb_tm, wih_t, whh_t, bih, bhh)


def kernel(enc_inputs, sequence_length, current_input, embedding,
           W_ih, W_hh, b_ih, b_hh):
    del current_input
    idx_tm = jnp.swapaxes(enc_inputs, 0, 1).reshape(-1).astype(jnp.int32)
    emb_tm = _make_sc_gather(B * L, D)(embedding, idx_tm)
    sl_b = jnp.broadcast_to(
        sequence_length.astype(jnp.int32)[:, None], (B, H))
    bias_in = jnp.concatenate(
        [b_ih[0:2 * H] + b_hh[0:2 * H], b_ih[2 * H:3 * H]])[None, :]
    out, last = _gru_call(sl_b, emb_tm, W_ih.T,
                             W_hh.T.astype(jnp.bfloat16),
                             bias_in, b_hh[None, 2 * H:3 * H])
    return out, last

# --- scband reference (transcript-rebuilt; emitter-appended) ---
"""Pipeline reference for scband-decoder-32074815767178 (READ-ONLY COPY).

The authoritative reference and input builder live on the scoring server;
editing this copy changes nothing except your own understanding.
"""

import jax, jax.numpy as jnp
import numpy as np

B, L, V, D, H = 16, 512, 32000, 256, 256

def setup_inputs(seed: int = 0) -> dict:
    key = jax.random.key(seed)
    ks = jax.random.split(key, 8)
    enc_inputs = jax.random.randint(ks[0], (B, L), 0, V, dtype=jnp.int64 if jax.config.jax_enable_x64 else jnp.int32)
    sequence_length = jax.random.randint(ks[1], (B,), 1, L + 1, dtype=jnp.int32)
    current_input = jax.random.randint(ks[2], (B, 1), 0, V, dtype=jnp.int32)
    embedding = jax.random.normal(ks[3], (V, D), dtype=jnp.float32) * 0.02
    s = 1.0 / np.sqrt(H)
    W_ih = jax.random.uniform(ks[4], (3 * H, D), dtype=jnp.float32, minval=-s, maxval=s)
    W_hh = jax.random.uniform(ks[5], (3 * H, H), dtype=jnp.float32, minval=-s, maxval=s)
    b_ih = jax.random.uniform(ks[6], (3 * H,), dtype=jnp.float32, minval=-s, maxval=s)
    b_hh = jax.random.uniform(ks[7], (3 * H,), dtype=jnp.float32, minval=-s, maxval=s)
    return {"enc_inputs": enc_inputs, "sequence_length": sequence_length, "current_input": current_input,
            "embedding": embedding, "W_ih": W_ih, "W_hh": W_hh, "b_ih": b_ih, "b_hh": b_hh}


def reference(enc_inputs, sequence_length, current_input, embedding, W_ih, W_hh, b_ih, b_hh):
    # embedding lookup (SparseCore gather)
    emb = jnp.take(embedding, enc_inputs, axis=0)  # [B, L, D]
    Lcur = emb.shape[1]
    # pack_padded_sequence semantics: steps beyond each sequence's length do not
    # update hidden state; padded output positions are zero after pad_packed.
    mask = (jnp.arange(Lcur)[None, :] < sequence_length[:, None]).astype(emb.dtype)  # [B, L]

    def step(h, xm):
        xt, mt = xm
        gi = xt @ W_ih.T + b_ih
        gh = h @ W_hh.T + b_hh
        i_r, i_z, i_n = jnp.split(gi, 3, axis=-1)
        h_r, h_z, h_n = jnp.split(gh, 3, axis=-1)
        r = jax.nn.sigmoid(i_r + h_r)
        z = jax.nn.sigmoid(i_z + h_z)
        n = jnp.tanh(i_n + r * h_n)
        h_new = (1.0 - z) * n + z * h
        h_keep = mt[:, None] * h_new + (1.0 - mt[:, None]) * h
        out_t = mt[:, None] * h_new
        return h_keep, out_t

    h0 = jnp.zeros((emb.shape[0], W_hh.shape[1]), dtype=emb.dtype)
    xs = jnp.swapaxes(emb, 0, 1)   # [L, B, D]
    ms = jnp.swapaxes(mask, 0, 1)  # [L, B]
    last_state, outs = jax.lax.scan(step, h0, (xs, ms))
    out = jnp.swapaxes(outs, 0, 1)  # [B, L, H]
    return out, last_state

if __name__ == "__main__":
    import jax
    _d = setup_inputs()
    print(jax.jit(kernel)(*tuple(_d.values())))

</pallas_src>

<mosaic_0001>
#map = affine_map<(d0, d1) -> (0, 0)>
#map1 = affine_map<(d0, d1) -> (0)>
module attributes {stable_mosaic.version = 14 : i64} {
  func.func @gather_k(%arg0: i32, %arg1: i32, %arg2: memref<32000x256xf32, #tpu.memory_space<hbm>>, %arg3: memref<8192xi32, #tpu.memory_space<hbm>>, %arg4: memref<8192x256xf32, #tpu.memory_space<hbm>>, %arg5: memref<256xi32, #tpu.memory_space<vmem>>, %arg6: memref<256x256xf32, #tpu.memory_space<vmem>>, %arg7: memref<!tpu.dma_semaphore, #tpu.memory_space<semaphore_mem>>) attributes {dimension_semantics = [#tpu.dimension_semantics<core_parallel>, #tpu.dimension_semantics<subcore_parallel>], iteration_bounds = array<i64: 2, 16>, scalar_prefetch = 0 : i64, scratch_operands = 3 : i64, tpu.core_type = #tpu.core_type<sc_vector_subcore>, window_params = [{transform_indices = #map}, {transform_indices = #map1}, {transform_indices = #map}]} {
    %mul3A = arith.constant 2 : i32
    %mul3A_0 = arith.muli %arg1, %mul3A : i32
    %add3A = arith.addi %mul3A_0, %arg0 : i32
    %mul3A_1 = arith.constant 256 : i32
    %mul3A_2 = arith.muli %add3A, %mul3A_1 : i32
    "tpu.region"() ({
      %run_scoped3A = tpu.sem_alloc : memref<!tpu.dma_semaphore, #tpu.memory_space<semaphore_mem>>
      %dma_start3A_7 = tpu.memref_slice %arg3[%mul3A_2] : memref<8192xi32, #tpu.memory_space<hbm>> -> memref<256xi32, #tpu.memory_space<hbm>>
      %dma_start3A_8 = tpu.memref_slice %arg3[%mul3A_2] : memref<8192xi32, #tpu.memory_space<hbm>> -> memref<256xi32, #tpu.memory_space<hbm>>
      tpu.enqueue_dma source(%dma_start3A_8 : memref<256xi32, #tpu.memory_space<hbm>>) target(%arg5 : memref<256xi32, #tpu.memory_space<vmem>>) target_semaphore(%run_scoped3A : memref<!tpu.dma_semaphore, #tpu.memory_space<semaphore_mem>>)
      %dma_wait3A_9 = tpu.memref_slice %arg3[%mul3A_2] : memref<8192xi32, #tpu.memory_space<hbm>> -> memref<256xi32, #tpu.memory_space<hbm>>
      %dma_wait3A_10 = tpu.memref_slice %arg3[%mul3A_2] : memref<8192xi32, #tpu.memory_space<hbm>> -> memref<256xi32, #tpu.memory_space<hbm>>
      tpu.wait_dma2 semaphore(%run_scoped3A : memref<!tpu.dma_semaphore, #tpu.memory_space<semaphore_mem>>) src(%dma_wait3A_10 : memref<256xi32, #tpu.memory_space<hbm>>) dst(%arg5 : memref<256xi32, #tpu.memory_space<vmem>>)
      tpu.yield
    }) : () -> ()
    %dma_start3A = arith.constant 0 : i32
    %dma_start3A_3 = arith.constant 0 : i32
    %dma_start3A_4 = tpu.memref_slice %arg2[%dma_start3A, %dma_start3A_3] : memref<32000x256xf32, #tpu.memory_space<hbm>> -> memref<32000x256xf32, #tpu.memory_space<hbm>>
    tpu.enqueue_indirect_dma source(%dma_start3A_4 : memref<32000x256xf32, #tpu.memory_space<hbm>>) target(%arg6 : memref<256x256xf32, #tpu.memory_space<vmem>>) offsets(%arg5 : memref<256xi32, #tpu.memory_space<vmem>>) semaphore(%arg7 : memref<!tpu.dma_semaphore, #tpu.memory_space<semaphore_mem>>)
    %dma_wait3A = arith.constant 0 : i32
    %dma_wait3A_5 = arith.constant 0 : i32
    %dma_wait3A_6 = tpu.memref_slice %arg2[%dma_wait3A, %dma_wait3A_5] : memref<32000x256xf32, #tpu.memory_space<hbm>> -> memref<32000x256xf32, #tpu.memory_space<hbm>>
    tpu.wait_indirect_dma semaphore(%arg7 : memref<!tpu.dma_semaphore, #tpu.memory_space<semaphore_mem>>) src(%dma_wait3A_6 : memref<32000x256xf32, #tpu.memory_space<hbm>>) dst(%arg6 : memref<256x256xf32, #tpu.memory_space<vmem>>)
    "tpu.region"() ({
      %run_scoped3A = tpu.sem_alloc : memref<!tpu.dma_semaphore, #tpu.memory_space<semaphore_mem>>
      %dma_start3A_7 = arith.constant 0 : i32
      %dma_start3A_8 = tpu.memref_slice %arg4[%mul3A_2, %dma_start3A_7] : memref<8192x256xf32, #tpu.memory_space<hbm>> -> memref<256x256xf32, #tpu.memory_space<hbm>>
      %dma_start3A_9 = arith.constant 0 : i32
      %dma_start3A_10 = tpu.memref_slice %arg4[%mul3A_2, %dma_start3A_9] : memref<8192x256xf32, #tpu.memory_space<hbm>> -> memref<256x256xf32, #tpu.memory_space<hbm>>
      tpu.enqueue_dma source(%arg6 : memref<256x256xf32, #tpu.memory_space<vmem>>) target(%dma_start3A_10 : memref<256x256xf32, #tpu.memory_space<hbm>>) target_semaphore(%run_scoped3A : memref<!tpu.dma_semaphore, #tpu.memory_space<semaphore_mem>>)
      %dma_wait3A_11 = arith.constant 0 : i32
      %dma_wait3A_12 = tpu.memref_slice %arg4[%mul3A_2, %dma_wait3A_11] : memref<8192x256xf32, #tpu.memory_space<hbm>> -> memref<256x256xf32, #tpu.memory_space<hbm>>
      %dma_wait3A_13 = arith.constant 0 : i32
      %dma_wait3A_14 = tpu.memref_slice %arg4[%mul3A_2, %dma_wait3A_13] : memref<8192x256xf32, #tpu.memory_space<hbm>> -> memref<256x256xf32, #tpu.memory_space<hbm>>
      tpu.wait_dma2 semaphore(%run_scoped3A : memref<!tpu.dma_semaphore, #tpu.memory_space<semaphore_mem>>) src(%arg6 : memref<256x256xf32, #tpu.memory_space<vmem>>) dst(%dma_wait3A_14 : memref<256x256xf32, #tpu.memory_space<hbm>>)
      tpu.yield
    }) : () -> ()
    return
  }
}

module attributes {stable_mosaic.version = 14 : i64} {
  func.func @_gru_body(%arg0: i32, %arg1: memref<16x256xi32, #tpu.memory_space<vmem>>, %arg2: memref<2048x256xf32, #tpu.memory_space<vmem>>, %arg3: memref<256x768xf32, #tpu.memory_space<vmem>>, %arg4: memref<256x768xbf16, #tpu.memory_space<vmem>>, %arg5: memref<1x768xf32, #tpu.memory_space<vmem>>, %arg6: memref<1x256xf32, #tpu.memory_space<vmem>>, %arg7: memref<16x128x256xf32, #tpu.memory_space<vmem>>, %arg8: memref<16x256xf32, #tpu.memory_space<vmem>>, %arg9: memref<2048x768xf32, #tpu.memory_space<vmem>>, %arg10: memref<16x256xf32, #tpu.memory_space<vmem>>) attributes {dimension_semantics = [#tpu.dimension_semantics<arbitrary>], iteration_bounds = array<i64: 4>, scalar_prefetch = 0 : i64, scratch_operands = 2 : i64, tpu.core_type = #tpu.core_type<tc>, window_params = [{pipeline_mode = #tpu.pipeline_mode<synchronous>, transform_indices = @transform_0, window_bounds = array<i64: 16, 256>}, {transform_indices = @transform_1, window_bounds = array<i64: 2048, 256>}, {pipeline_mode = #tpu.pipeline_mode<synchronous>, transform_indices = @transform_2, window_bounds = array<i64: 256, 768>}, {pipeline_mode = #tpu.pipeline_mode<synchronous>, transform_indices = @transform_3, window_bounds = array<i64: 256, 768>}, {pipeline_mode = #tpu.pipeline_mode<synchronous>, transform_indices = @transform_4, window_bounds = array<i64: 1, 768>}, {pipeline_mode = #tpu.pipeline_mode<synchronous>, transform_indices = @transform_5, window_bounds = array<i64: 1, 256>}, {transform_indices = @transform_6, window_bounds = array<i64: 16, 128, 256>}, {pipeline_mode = #tpu.pipeline_mode<synchronous>, transform_indices = @transform_7, window_bounds = array<i64: 16, 256>}]} {
    %eq3A = arith.constant 0 : i32
    %eq3A_0 = arith.cmpi eq, %arg0, %eq3A : i32
    %convert_element_type3A = arith.extui %eq3A_0 : i1 to i32
    %cond3A = arith.constant 0 : i32
    %cond3A_1 = arith.cmpi ne, %convert_element_type3A, %cond3A : i32
    scf.if %cond3A_1 {
      %broadcast_in_dim3A = arith.constant 0.000000e+00 : f32
      %broadcast_in_dim3A_82 = vector.broadcast %broadcast_in_dim3A : f32 to vector<16x256xf32>
      %swap3A_83 = arith.constant 0 : index
      %swap3A_84 = arith.constant 0 : index
      %swap3A_85 = vector.load %arg10[%swap3A_83, %swap3A_84] : memref<16x256xf32, #tpu.memory_space<vmem>>, vector<16x256xf32>
      tpu.vector_store %arg10[%swap3A_83, %swap3A_84], %broadcast_in_dim3A_82 {strides = array<i32>} : memref<16x256xf32, #tpu.memory_space<vmem>>, vector<16x256xf32>,
    } else {
    }
    %get3A = arith.constant 0 : index
    %get3A_2 = arith.constant 0 : index
    %get3A_3 = vector.load %arg2[%get3A, %get3A_2] : memref<2048x256xf32, #tpu.memory_space<vmem>>, vector<2048x256xf32>
    %get3A_4 = arith.constant 0 : index
    %get3A_5 = arith.constant 0 : index
    %get3A_6 = vector.load %arg3[%get3A_4, %get3A_5] : memref<256x768xf32, #tpu.memory_space<vmem>>, vector<256x768xf32>
    %dot_general3A = arith.constant dense<0.000000e+00> : vector<2048x768xf32>
    %dot_general3A_7 = tpu.matmul %get3A_3, %get3A_6, %dot_general3A {dimension_numbers = #tpu.dot_dimension_numbers<[1], [0], [0], [1], [0, 0, 1, 1], [], []>, transpose_lhs_hint = false} : vector<2048x256xf32>, vector<256x768xf32>, vector<2048x768xf32> -> vector<2048x768xf32>
    %get3A_8 = arith.constant 0 : index
    %get3A_9 = arith.constant 0 : index
    %get3A_10 = vector.load %arg5[%get3A_8, %get3A_9] : memref<1x768xf32, #tpu.memory_space<vmem>>, vector<1x768xf32>
    %add3A = vector.broadcast %get3A_10 : vector<1x768xf32> to vector<2048x768xf32>
    %add3A_11 = arith.addf %dot_general3A_7, %add3A : vector<2048x768xf32>
    %swap3A = arith.constant 0 : index
    %swap3A_12 = arith.constant 0 : index
    %swap3A_13 = vector.load %arg9[%swap3A, %swap3A_12] : memref<2048x768xf32, #tpu.memory_space<vmem>>, vector<2048x768xf32>
    tpu.vector_store %arg9[%swap3A, %swap3A_12], %add3A_11 {strides = array<i32>} : memref<2048x768xf32, #tpu.memory_space<vmem>>, vector<2048x768xf32>,
    %get3A_14 = arith.constant 0 : index
    %get3A_15 = arith.constant 0 : index
    %get3A_16 = vector.load %arg4[%get3A_14, %get3A_15] : memref<256x768xbf16, #tpu.memory_space<vmem>>, vector<256x768xbf16>
    %get3A_17 = arith.constant 0 : index
    %get3A_18 = arith.constant 0 : index
    %get3A_19 = vector.load %arg6[%get3A_17, %get3A_18] : memref<1x256xf32, #tpu.memory_space<vmem>>, vector<1x256xf32>
    %get3A_20 = arith.constant 0 : index
    %get3A_21 = arith.constant 0 : index
    %get3A_22 = vector.load %arg1[%get3A_20, %get3A_21] : memref<16x256xi32, #tpu.memory_space<vmem>>, vector<16x256xi32>
    %reduce_max3A = vector.shape_cast %get3A_22 : vector<16x256xi32> to vector<1x16x256xi32>
    %reduce_max3A_23 = arith.constant dense<-2147483648> : vector<1xi32>
    %reduce_max3A_24 = vector.multi_reduction <maxsi>, %reduce_max3A, %reduce_max3A_23 [1, 2] : vector<1x16x256xi32> to vector<1xi32>
    %reduce_max3A_25 = vector.shape_cast %reduce_max3A_24 : vector<1xi32> to vector<1x1x1xi32>
    %reduce_max3A_26 = vector.extract %reduce_max3A_25[0, 0, 0] : i32 from vector<1x1x1xi32>
    %mul3A = arith.constant 128 : i32
    %mul3A_27 = arith.muli %arg0, %mul3A : i32
    %sub3A = arith.subi %reduce_max3A_26, %mul3A_27 : i32
    %jit3A = arith.constant 0 : i32
    %jit3A_28 = arith.constant 128 : i32
    %max3A = arith.maxsi %jit3A, %sub3A : i32
    %min3A = arith.minsi %jit3A_28, %max3A : i32
    %add3A_29 = arith.constant 7 : i32
    %add3A_30 = arith.addi %min3A, %add3A_29 : i32
    %jit3A_31 = arith.constant 8 : i32
    %div3A = arith.divsi %add3A_30, %jit3A_31 : i32
    %sign3A = arith.constant 0 : i32
    %sign3A_32 = arith.cmpi sgt, %add3A_30, %sign3A : i32
    %sign3A_33 = arith.extui %sign3A_32 : i1 to i32
    %sign3A_34 = arith.constant 0 : i32
    %sign3A_35 = arith.cmpi slt, %add3A_30, %sign3A_34 : i32
    %sign3A_36 = arith.extui %sign3A_35 : i1 to i32
    %sign3A_37 = arith.subi %sign3A_33, %sign3A_36 : i32
    %sign3A_38 = arith.constant 0 : i32
    %sign3A_39 = arith.cmpi sgt, %jit3A_31, %sign3A_38 : i32
    %sign3A_40 = arith.extui %sign3A_39 : i1 to i32
    %sign3A_41 = arith.constant 0 : i32
    %sign3A_42 = arith.cmpi slt, %jit3A_31, %sign3A_41 : i32
    %sign3A_43 = arith.extui %sign3A_42 : i1 to i32
    %sign3A_44 = arith.subi %sign3A_40, %sign3A_43 : i32
    %ne3A = arith.cmpi ne, %sign3A_37, %sign3A_44 : i32
    %rem3A = arith.remsi %add3A_30, %jit3A_31 : i32
    %ne3A_45 = arith.constant 0 : i32
    %ne3A_46 = arith.cmpi ne, %rem3A, %ne3A_45 : i32
    %and3A = arith.andi %ne3A, %ne3A_46 : i1
    %sub3A_47 = arith.constant 1 : i32
    %sub3A_48 = arith.subi %div3A, %sub3A_47 : i32
    %select_n3A = arith.select %and3A, %sub3A_48, %div3A : i32
    %get3A_49 = arith.constant 0 : index
    %get3A_50 = arith.constant 0 : index
    %get3A_51 = vector.load %arg10[%get3A_49, %get3A_50] : memref<16x256xf32, #tpu.memory_space<vmem>>, vector<16x256xf32>
    %while3A = arith.constant 0 : i32
    %while3A_52 = arith.subi %select_n3A, %while3A : i32
    %while3A_53 = arith.addi %while3A, %while3A_52 : i32
    %while3A_54 = arith.constant 1 : i32
    %while3A_55 = arith.divsi %while3A_52, %while3A_54 : i32
    %while3A_56 = arith.muli %while3A_55, %while3A_54 : i32
    %while3A_57 = arith.addi %while3A, %while3A_56 : i32
    %while3A_58 = arith.constant 1 : i32
    %while3A_59 = scf.for %while3A_82 = %while3A to %while3A_57 step %while3A_58 iter_args(%while3A_83 = %get3A_51) -> (vector<16x256xf32>)  : i32 {
      %mul3A_84 = arith.constant 8 : i32
      %mul3A_85 = arith.muli %while3A_82, %mul3A_84 : i32
      %add3A_86 = arith.constant 0 : i32
      %add3A_87 = arith.addi %mul3A_85, %add3A_86 : i32
      %mul3A_88 = arith.constant 16 : i32
      %mul3A_89 = arith.muli %add3A_87, %mul3A_88 : i32
      %get3A_90 = arith.index_cast %mul3A_89 : i32 to index
      %get3A_91 = arith.constant 0 : index
      %get3A_92 = vector.load %arg9[%get3A_90, %get3A_91] : memref<2048x768xf32, #tpu.memory_space<vmem>>, vector<16x768xf32>
      %convert_element_type3A_93 = arith.truncf %while3A_83 : vector<16x256xf32> to vector<16x256xbf16>
      %dot_general3A_94 = arith.constant dense<0.000000e+00> : vector<16x768xf32>
      %dot_general3A_95 = tpu.matmul %convert_element_type3A_93, %get3A_16, %dot_general3A_94 {dimension_numbers = #tpu.dot_dimension_numbers<[1], [0], [0], [1], [0, 0, 1, 1], [], []>, transpose_lhs_hint = false} : vector<16x256xbf16>, vector<256x768xbf16>, vector<16x768xf32> -> vector<16x768xf32>
      %slice3A = vector.extract_strided_slice %get3A_92 {offsets = [0, 0], sizes = [16, 256], strides = [1, 1]} : vector<16x768xf32> to vector<16x256xf32>
      %slice3A_96 = vector.extract_strided_slice %dot_general3A_95 {offsets = [0, 0], sizes = [16, 256], strides = [1, 1]} : vector<16x768xf32> to vector<16x256xf32>
      %add3A_97 = arith.addf %slice3A, %slice3A_96 : vector<16x256xf32>
      %logistic3A = arith.negf %add3A_97 : vector<16x256xf32>
      %logistic3A_98 = math.exp %logistic3A : vector<16x256xf32>
      %logistic3A_99 = arith.constant 1.000000e+00 : f32
      %logistic3A_100 = vector.broadcast %logistic3A_99 : f32 to vector<16x256xf32>
      %logistic3A_101 = arith.addf %logistic3A_100, %logistic3A_98 : vector<16x256xf32>
      %logistic3A_102 = arith.divf %logistic3A_100, %logistic3A_101 : vector<16x256xf32>
      %slice3A_103 = vector.extract_strided_slice %get3A_92 {offsets = [0, 256], sizes = [16, 256], strides = [1, 1]} : vector<16x768xf32> to vector<16x256xf32>
      %slice3A_104 = vector.extract_strided_slice %dot_general3A_95 {offsets = [0, 256], sizes = [16, 256], strides = [1, 1]} : vector<16x768xf32> to vector<16x256xf32>
      %add3A_105 = arith.addf %slice3A_103, %slice3A_104 : vector<16x256xf32>
      %logistic3A_106 = arith.negf %add3A_105 : vector<16x256xf32>
      %logistic3A_107 = math.exp %logistic3A_106 : vector<16x256xf32>
      %logistic3A_108 = arith.constant 1.000000e+00 : f32
      %logistic3A_109 = vector.broadcast %logistic3A_108 : f32 to vector<16x256xf32>
      %logistic3A_110 = arith.addf %logistic3A_109, %logistic3A_107 : vector<16x256xf32>
      %logistic3A_111 = arith.divf %logistic3A_109, %logistic3A_110 : vector<16x256xf32>
      %slice3A_112 = vector.extract_strided_slice %get3A_92 {offsets = [0, 512], sizes = [16, 256], strides = [1, 1]} : vector<16x768xf32> to vector<16x256xf32>
      %slice3A_113 = vector.extract_strided_slice %dot_general3A_95 {offsets = [0, 512], sizes = [16, 256], strides = [1, 1]} : vector<16x768xf32> to vector<16x256xf32>
      %add3A_114 = vector.broadcast %get3A_19 : vector<1x256xf32> to vector<16x256xf32>
      %add3A_115 = arith.addf %slice3A_113, %add3A_114 : vector<16x256xf32>
      %mul3A_116 = arith.mulf %logistic3A_102, %add3A_115 : vector<16x256xf32>
      %add3A_117 = arith.addf %slice3A_112, %mul3A_116 : vector<16x256xf32>
      %tanh3A = math.tanh %add3A_117 : vector<16x256xf32>
      %sub3A_118 = arith.subf %while3A_83, %tanh3A : vector<16x256xf32>
      %mul3A_119 = arith.mulf %logistic3A_111, %sub3A_118 : vector<16x256xf32>
      %add3A_120 = arith.addf %tanh3A, %mul3A_119 : vector<16x256xf32>
      %mul3A_121 = arith.constant 128 : i32
      %mul3A_122 = arith.muli %arg0, %mul3A_121 : i32
      %add3A_123 = arith.addi %mul3A_122, %add3A_87 : i32
      %lt3A = vector.broadcast %add3A_123 : i32 to vector<16x256xi32>
      %lt3A_124 = arith.cmpi slt, %lt3A, %get3A_22 : vector<16x256xi32>
      %convert_element_type3A_125 = arith.extui %lt3A_124 : vector<16x256xi1> to vector<16x256xi32>
      %convert_element_type3A_126 = arith.sitofp %convert_element_type3A_125 : vector<16x256xi32> to vector<16x256xf32>
      %mul3A_127 = arith.mulf %convert_element_type3A_126, %add3A_120 : vector<16x256xf32>
      %broadcast_in_dim3A = vector.shape_cast %mul3A_127 : vector<16x256xf32> to vector<16x1x256xf32>
      %swap3A_128 = arith.constant 0 : index
      %swap3A_129 = arith.index_cast %add3A_87 : i32 to index
      %swap3A_130 = arith.constant 0 : index
      %swap3A_131 = vector.load %arg7[%swap3A_128, %swap3A_129, %swap3A_130] : memref<16x128x256xf32, #tpu.memory_space<vmem>>, vector<16x1x256xf32>
      tpu.vector_store %arg7[%swap3A_128, %swap3A_129, %swap3A_130], %broadcast_in_dim3A {strides = array<i32>} : memref<16x128x256xf32, #tpu.memory_space<vmem>>, vector<16x1x256xf32>,
      %sub3A_132 = arith.subf %add3A_120, %while3A_83 : vector<16x256xf32>
      %mul3A_133 = arith.mulf %convert_element_type3A_126, %sub3A_132 : vector<16x256xf32>
      %add3A_134 = arith.addf %while3A_83, %mul3A_133 : vector<16x256xf32>
      %mul3A_135 = arith.constant 8 : i32
      %mul3A_136 = arith.muli %while3A_82, %mul3A_135 : i32
      %add3A_137 = arith.constant 1 : i32
      %add3A_138 = arith.addi %mul3A_136, %add3A_137 : i32
      %mul3A_139 = arith.constant 16 : i32
      %mul3A_140 = arith.muli %add3A_138, %mul3A_139 : i32
      %get3A_141 = arith.index_cast %mul3A_140 : i32 to index
      %get3A_142 = arith.constant 0 : index
      %get3A_143 = vector.load %arg9[%get3A_141, %get3A_142] : memref<2048x768xf32, #tpu.memory_space<vmem>>, vector<16x768xf32>
      %convert_element_type3A_144 = arith.truncf %add3A_134 : vector<16x256xf32> to vector<16x256xbf16>
      %dot_general3A_145 = arith.constant dense<0.000000e+00> : vector<16x768xf32>
      %dot_general3A_146 = tpu.matmul %convert_element_type3A_144, %get3A_16, %dot_general3A_145 {dimension_numbers = #tpu.dot_dimension_numbers<[1], [0], [0], [1], [0, 0, 1, 1], [], []>, transpose_lhs_hint = false} : vector<16x256xbf16>, vector<256x768xbf16>, vector<16x768xf32> -> vector<16x768xf32>
      %slice3A_147 = vector.extract_strided_slice %get3A_143 {offsets = [0, 0], sizes = [16, 256], strides = [1, 1]} : vector<16x768xf32> to vector<16x256xf32>
      %slice3A_148 = vector.extract_strided_slice %dot_general3A_146 {offsets = [0, 0], sizes = [16, 256], strides = [1, 1]} : vector<16x768xf32> to vector<16x256xf32>
      %add3A_149 = arith.addf %slice3A_147, %slice3A_148 : vector<16x256xf32>
      %logistic3A_150 = arith.negf %add3A_149 : vector<16x256xf32>
      %logistic3A_151 = math.exp %logistic3A_150 : vector<16x256xf32>
      %logistic3A_152 = arith.constant 1.000000e+00 : f32
      %logistic3A_153 = vector.broadcast %logistic3A_152 : f32 to vector<16x256xf32>
      %logistic3A_154 = arith.addf %logistic3A_153, %logistic3A_151 : vector<16x256xf32>
      %logistic3A_155 = arith.divf %logistic3A_153, %logistic3A_154 : vector<16x256xf32>
      %slice3A_156 = vector.extract_strided_slice %get3A_143 {offsets = [0, 256], sizes = [16, 256], strides = [1, 1]} : vector<16x768xf32> to vector<16x256xf32>
      %slice3A_157 = vector.extract_strided_slice %dot_general3A_146 {offsets = [0, 256], sizes = [16, 256], strides = [1, 1]} : vector<16x768xf32> to vector<16x256xf32>
      %add3A_158 = arith.addf %slice3A_156, %slice3A_157 : vector<16x256xf32>
      %logistic3A_159 = arith.negf %add3A_158 : vector<16x256xf32>
      %logistic3A_160 = math.exp %logistic3A_159 : vector<16x256xf32>
      %logistic3A_161 = arith.constant 1.000000e+00 : f32
      %logistic3A_162 = vector.broadcast %logistic3A_161 : f32 to vector<16x256xf32>
      %logistic3A_163 = arith.addf %logistic3A_162, %logistic3A_160 : vector<16x256xf32>
      %logistic3A_164 = arith.divf %logistic3A_162, %logistic3A_163 : vector<16x256xf32>
      %slice3A_165 = vector.extract_strided_slice %get3A_143 {offsets = [0, 512], sizes = [16, 256], strides = [1, 1]} : vector<16x768xf32> to vector<16x256xf32>
      %slice3A_166 = vector.extract_strided_slice %dot_general3A_146 {offsets = [0, 512], sizes = [16, 256], strides = [1, 1]} : vector<16x768xf32> to vector<16x256xf32>
      %add3A_167 = vector.broadcast %get3A_19 : vector<1x256xf32> to vector<16x256xf32>
      %add3A_168 = arith.addf %slice3A_166, %add3A_167 : vector<16x256xf32>
      %mul3A_169 = arith.mulf %logistic3A_155, %add3A_168 : vector<16x256xf32>
      %add3A_170 = arith.addf %slice3A_165, %mul3A_169 : vector<16x256xf32>
      %tanh3A_171 = math.tanh %add3A_170 : vector<16x256xf32>
      %sub3A_172 = arith.subf %add3A_134, %tanh3A_171 : vector<16x256xf32>
      %mul3A_173 = arith.mulf %logistic3A_164, %sub3A_172 : vector<16x256xf32>
      %add3A_174 = arith.addf %tanh3A_171, %mul3A_173 : vector<16x256xf32>
      %mul3A_175 = arith.constant 128 : i32
      %mul3A_176 = arith.muli %arg0, %mul3A_175 : i32
      %add3A_177 = arith.addi %mul3A_176, %add3A_138 : i32
      %lt3A_178 = vector.broadcast %add3A_177 : i32 to vector<16x256xi32>
      %lt3A_179 = arith.cmpi slt, %lt3A_178, %get3A_22 : vector<16x256xi32>
      %convert_element_type3A_180 = arith.extui %lt3A_179 : vector<16x256xi1> to vector<16x256xi32>
      %convert_element_type3A_181 = arith.sitofp %convert_element_type3A_180 : vector<16x256xi32> to vector<16x256xf32>
      %mul3A_182 = arith.mulf %convert_element_type3A_181, %add3A_174 : vector<16x256xf32>
      %broadcast_in_dim3A_183 = vector.shape_cast %mul3A_182 : vector<16x256xf32> to vector<16x1x256xf32>
      %swap3A_184 = arith.constant 0 : index
      %swap3A_185 = arith.index_cast %add3A_138 : i32 to index
      %swap3A_186 = arith.constant 0 : index
      %swap3A_187 = vector.load %arg7[%swap3A_184, %swap3A_185, %swap3A_186] : memref<16x128x256xf32, #tpu.memory_space<vmem>>, vector<16x1x256xf32>
      tpu.vector_store %arg7[%swap3A_184, %swap3A_185, %swap3A_186], %broadcast_in_dim3A_183 {strides = array<i32>} : memref<16x128x256xf32, #tpu.memory_space<vmem>>, vector<16x1x256xf32>,
      %sub3A_188 = arith.subf %add3A_174, %add3A_134 : vector<16x256xf32>
      %mul3A_189 = arith.mulf %convert_element_type3A_181, %sub3A_188 : vector<16x256xf32>
      %add3A_190 = arith.addf %add3A_134, %mul3A_189 : vector<16x256xf32>
      %mul3A_191 = arith.constant 8 : i32
      %mul3A_192 = arith.muli %while3A_82, %mul3A_191 : i32
      %add3A_193 = arith.constant 2 : i32
      %add3A_194 = arith.addi %mul3A_192, %add3A_193 : i32
      %mul3A_195 = arith.constant 16 : i32
      %mul3A_196 = arith.muli %add3A_194, %mul3A_195 : i32
      %get3A_197 = arith.index_cast %mul3A_196 : i32 to index
      %get3A_198 = arith.constant 0 : index
      %get3A_199 = vector.load %arg9[%get3A_197, %get3A_198] : memref<2048x768xf32, #tpu.memory_space<vmem>>, vector<16x768xf32>
      %convert_element_type3A_200 = arith.truncf %add3A_190 : vector<16x256xf32> to vector<16x256xbf16>
      %dot_general3A_201 = arith.constant dense<0.000000e+00> : vector<16x768xf32>
      %dot_general3A_202 = tpu.matmul %convert_element_type3A_200, %get3A_16, %dot_general3A_201 {dimension_numbers = #tpu.dot_dimension_numbers<[1], [0], [0], [1], [0, 0, 1, 1], [], []>, transpose_lhs_hint = false} : vector<16x256xbf16>, vector<256x768xbf16>, vector<16x768xf32> -> vector<16x768xf32>
      %slice3A_203 = vector.extract_strided_slice %get3A_199 {offsets = [0, 0], sizes = [16, 256], strides = [1, 1]} : vector<16x768xf32> to vector<16x256xf32>
      %slice3A_204 = vector.extract_strided_slice %dot_general3A_202 {offsets = [0, 0], sizes = [16, 256], strides = [1, 1]} : vector<16x768xf32> to vector<16x256xf32>
      %add3A_205 = arith.addf %slice3A_203, %slice3A_204 : vector<16x256xf32>
      %logistic3A_206 = arith.negf %add3A_205 : vector<16x256xf32>
      %logistic3A_207 = math.exp %logistic3A_206 : vector<16x256xf32>
      %logistic3A_208 = arith.constant 1.000000e+00 : f32
      %logistic3A_209 = vector.broadcast %logistic3A_208 : f32 to vector<16x256xf32>
      %logistic3A_210 = arith.addf %logistic3A_209, %logistic3A_207 : vector<16x256xf32>
      %logistic3A_211 = arith.divf %logistic3A_209, %logistic3A_210 : vector<16x256xf32>
      %slice3A_212 = vector.extract_strided_slice %get3A_199 {offsets = [0, 256], sizes = [16, 256], strides = [1, 1]} : vector<16x768xf32> to vector<16x256xf32>
      %slice3A_213 = vector.extract_strided_slice %dot_general3A_202 {offsets = [0, 256], sizes = [16, 256], strides = [1, 1]} : vector<16x768xf32> to vector<16x256xf32>
      %add3A_214 = arith.addf %slice3A_212, %slice3A_213 : vector<16x256xf32>
      %logistic3A_215 = arith.negf %add3A_214 : vector<16x256xf32>
      %logistic3A_216 = math.exp %logistic3A_215 : vector<16x256xf32>
      %logistic3A_217 = arith.constant 1.000000e+00 : f32
      %logistic3A_218 = vector.broadcast %logistic3A_217 : f32 to vector<16x256xf32>
      %logistic3A_219 = arith.addf %logistic3A_218, %logistic3A_216 : vector<16x256xf32>
      %logistic3A_220 = arith.divf %logistic3A_218, %logistic3A_219 : vector<16x256xf32>
      %slice3A_221 = vector.extract_strided_slice %get3A_199 {offsets = [0, 512], sizes = [16, 256], strides = [1, 1]} : vector<16x768xf32> to vector<16x256xf32>
      %slice3A_222 = vector.extract_strided_slice %dot_general3A_202 {offsets = [0, 512], sizes = [16, 256], strides = [1, 1]} : vector<16x768xf32> to vector<16x256xf32>
      %add3A_223 = vector.broadcast %get3A_19 : vector<1x256xf32> to vector<16x256xf32>
      %add3A_224 = arith.addf %slice3A_222, %add3A_223 : vector<16x256xf32>
      %mul3A_225 = arith.mulf %logistic3A_211, %add3A_224 : vector<16x256xf32>
      %add3A_226 = arith.addf %slice3A_221, %mul3A_225 : vector<16x256xf32>
      %tanh3A_227 = math.tanh %add3A_226 : vector<16x256xf32>
      %sub3A_228 = arith.subf %add3A_190, %tanh3A_227 : vector<16x256xf32>
      %mul3A_229 = arith.mulf %logistic3A_220, %sub3A_228 : vector<16x256xf32>
      %add3A_230 = arith.addf %tanh3A_227, %mul3A_229 : vector<16x256xf32>
      %mul3A_231 = arith.constant 128 : i32
      %mul3A_232 = arith.muli %arg0, %mul3A_231 : i32
      %add3A_233 = arith.addi %mul3A_232, %add3A_194 : i32
      %lt3A_234 = vector.broadcast %add3A_233 : i32 to vector<16x256xi32>
      %lt3A_235 = arith.cmpi slt, %lt3A_234, %get3A_22 : vector<16x256xi32>
      %convert_element_type3A_236 = arith.extui %lt3A_235 : vector<16x256xi1> to vector<16x256xi32>
      %convert_element_type3A_237 = arith.sitofp %convert_element_type3A_236 : vector<16x256xi32> to vector<16x256xf32>
      %mul3A_238 = arith.mulf %convert_element_type3A_237, %add3A_230 : vector<16x256xf32>
      %broadcast_in_dim3A_239 = vector.shape_cast %mul3A_238 : vector<16x256xf32> to vector<16x1x256xf32>
      %swap3A_240 = arith.constant 0 : index
      %swap3A_241 = arith.index_cast %add3A_194 : i32 to index
      %swap3A_242 = arith.constant 0 : index
      %swap3A_243 = vector.load %arg7[%swap3A_240, %swap3A_241, %swap3A_242] : memref<16x128x256xf32, #tpu.memory_space<vmem>>, vector<16x1x256xf32>
      tpu.vector_store %arg7[%swap3A_240, %swap3A_241, %swap3A_242], %broadcast_in_dim3A_239 {strides = array<i32>} : memref<16x128x256xf32, #tpu.memory_space<vmem>>, vector<16x1x256xf32>,
      %sub3A_244 = arith.subf %add3A_230, %add3A_190 : vector<16x256xf32>
      %mul3A_245 = arith.mulf %convert_element_type3A_237, %sub3A_244 : vector<16x256xf32>
      %add3A_246 = arith.addf %add3A_190, %mul3A_245 : vector<16x256xf32>
      %mul3A_247 = arith.constant 8 : i32
      %mul3A_248 = arith.muli %while3A_82, %mul3A_247 : i32
      %add3A_249 = arith.constant 3 : i32
      %add3A_250 = arith.addi %mul3A_248, %add3A_249 : i32
      %mul3A_251 = arith.constant 16 : i32
      %mul3A_252 = arith.muli %add3A_250, %mul3A_251 : i32
      %get3A_253 = arith.index_cast %mul3A_252 : i32 to index
      %get3A_254 = arith.constant 0 : index
      %get3A_255 = vector.load %arg9[%get3A_253, %get3A_254] : memref<2048x768xf32, #tpu.memory_space<vmem>>, vector<16x768xf32>
      %convert_element_type3A_256 = arith.truncf %add3A_246 : vector<16x256xf32> to vector<16x256xbf16>
      %dot_general3A_257 = arith.constant dense<0.000000e+00> : vector<16x768xf32>
      %dot_general3A_258 = tpu.matmul %convert_element_type3A_256, %get3A_16, %dot_general3A_257 {dimension_numbers = #tpu.dot_dimension_numbers<[1], [0], [0], [1], [0, 0, 1, 1], [], []>, transpose_lhs_hint = false} : vector<16x256xbf16>, vector<256x768xbf16>, vector<16x768xf32> -> vector<16x768xf32>
      %slice3A_259 = vector.extract_strided_slice %get3A_255 {offsets = [0, 0], sizes = [16, 256], strides = [1, 1]} : vector<16x768xf32> to vector<16x256xf32>
      %slice3A_260 = vector.extract_strided_slice %dot_general3A_258 {offsets = [0, 0], sizes = [16, 256], strides = [1, 1]} : vector<16x768xf32> to vector<16x256xf32>
      %add3A_261 = arith.addf %slice3A_259, %slice3A_260 : vector<16x256xf32>
      %logistic3A_262 = arith.negf %add3A_261 : vector<16x256xf32>
      %logistic3A_263 = math.exp %logistic3A_262 : vector<16x256xf32>
      %logistic3A_264 = arith.constant 1.000000e+00 : f32
      %logistic3A_265 = vector.broadcast %logistic3A_264 : f32 to vector<16x256xf32>
      %logistic3A_266 = arith.addf %logistic3A_265, %logistic3A_263 : vector<16x256xf32>
      %logistic3A_267 = arith.divf %logistic3A_265, %logistic3A_266 : vector<16x256xf32>
      %slice3A_268 = vector.extract_strided_slice %get3A_255 {offsets = [0, 256], sizes = [16, 256], strides = [1, 1]} : vector<16x768xf32> to vector<16x256xf32>
      %slice3A_269 = vector.extract_strided_slice %dot_general3A_258 {offsets = [0, 256], sizes = [16, 256], strides = [1, 1]} : vector<16x768xf32> to vector<16x256xf32>
      %add3A_270 = arith.addf %slice3A_268, %slice3A_269 : vector<16x256xf32>
      %logistic3A_271 = arith.negf %add3A_270 : vector<16x256xf32>
      %logistic3A_272 = math.exp %logistic3A_271 : vector<16x256xf32>
      %logistic3A_273 = arith.constant 1.000000e+00 : f32
      %logistic3A_274 = vector.broadcast %logistic3A_273 : f32 to vector<16x256xf32>
      %logistic3A_275 = arith.addf %logistic3A_274, %logistic3A_272 : vector<16x256xf32>
      %logistic3A_276 = arith.divf %logistic3A_274, %logistic3A_275 : vector<16x256xf32>
      %slice3A_277 = vector.extract_strided_slice %get3A_255 {offsets = [0, 512], sizes = [16, 256], strides = [1, 1]} : vector<16x768xf32> to vector<16x256xf32>
      %slice3A_278 = vector.extract_strided_slice %dot_general3A_258 {offsets = [0, 512], sizes = [16, 256], strides = [1, 1]} : vector<16x768xf32> to vector<16x256xf32>
      %add3A_279 = vector.broadcast %get3A_19 : vector<1x256xf32> to vector<16x256xf32>
      %add3A_280 = arith.addf %slice3A_278, %add3A_279 : vector<16x256xf32>
      %mul3A_281 = arith.mulf %logistic3A_267, %add3A_280 : vector<16x256xf32>
      %add3A_282 = arith.addf %slice3A_277, %mul3A_281 : vector<16x256xf32>
      %tanh3A_283 = math.tanh %add3A_282 : vector<16x256xf32>
      %sub3A_284 = arith.subf %add3A_246, %tanh3A_283 : vector<16x256xf32>
      %mul3A_285 = arith.mulf %logistic3A_276, %sub3A_284 : vector<16x256xf32>
      %add3A_286 = arith.addf %tanh3A_283, %mul3A_285 : vector<16x256xf32>
      %mul3A_287 = arith.constant 128 : i32
      %mul3A_288 = arith.muli %arg0, %mul3A_287 : i32
      %add3A_289 = arith.addi %mul3A_288, %add3A_250 : i32
      %lt3A_290 = vector.broadcast %add3A_289 : i32 to vector<16x256xi32>
      %lt3A_291 = arith.cmpi slt, %lt3A_290, %get3A_22 : vector<16x256xi32>
      %convert_element_type3A_292 = arith.extui %lt3A_291 : vector<16x256xi1> to vector<16x256xi32>
      %convert_element_type3A_293 = arith.sitofp %convert_element_type3A_292 : vector<16x256xi32> to vector<16x256xf32>
      %mul3A_294 = arith.mulf %convert_element_type3A_293, %add3A_286 : vector<16x256xf32>
      %broadcast_in_dim3A_295 = vector.shape_cast %mul3A_294 : vector<16x256xf32> to vector<16x1x256xf32>
      %swap3A_296 = arith.constant 0 : index
      %swap3A_297 = arith.index_cast %add3A_250 : i32 to index
      %swap3A_298 = arith.constant 0 : index
      %swap3A_299 = vector.load %arg7[%swap3A_296, %swap3A_297, %swap3A_298] : memref<16x128x256xf32, #tpu.memory_space<vmem>>, vector<16x1x256xf32>
      tpu.vector_store %arg7[%swap3A_296, %swap3A_297, %swap3A_298], %broadcast_in_dim3A_295 {strides = array<i32>} : memref<16x128x256xf32, #tpu.memory_space<vmem>>, vector<16x1x256xf32>,
      %sub3A_300 = arith.subf %add3A_286, %add3A_246 : vector<16x256xf32>
      %mul3A_301 = arith.mulf %convert_element_type3A_293, %sub3A_300 : vector<16x256xf32>
      %add3A_302 = arith.addf %add3A_246, %mul3A_301 : vector<16x256xf32>
      %mul3A_303 = arith.constant 8 : i32
      %mul3A_304 = arith.muli %while3A_82, %mul3A_303 : i32
      %add3A_305 = arith.constant 4 : i32
      %add3A_306 = arith.addi %mul3A_304, %add3A_305 : i32
      %mul3A_307 = arith.constant 16 : i32
      %mul3A_308 = arith.muli %add3A_306, %mul3A_307 : i32
      %get3A_309 = arith.index_cast %mul3A_308 : i32 to index
      %get3A_310 = arith.constant 0 : index
      %get3A_311 = vector.load %arg9[%get3A_309, %get3A_310] : memref<2048x768xf32, #tpu.memory_space<vmem>>, vector<16x768xf32>
      %convert_element_type3A_312 = arith.truncf %add3A_302 : vector<16x256xf32> to vector<16x256xbf16>
      %dot_general3A_313 = arith.constant dense<0.000000e+00> : vector<16x768xf32>
      %dot_general3A_314 = tpu.matmul %convert_element_type3A_312, %get3A_16, %dot_general3A_313 {dimension_numbers = #tpu.dot_dimension_numbers<[1], [0], [0], [1], [0, 0, 1, 1], [], []>, transpose_lhs_hint = false} : vector<16x256xbf16>, vector<256x768xbf16>, vector<16x768xf32> -> vector<16x768xf32>
      %slice3A_315 = vector.extract_strided_slice %get3A_311 {offsets = [0, 0], sizes = [16, 256], strides = [1, 1]} : vector<16x768xf32> to vector<16x256xf32>
      %slice3A_316 = vector.extract_strided_slice %dot_general3A_314 {offsets = [0, 0], sizes = [16, 256], strides = [1, 1]} : vector<16x768xf32> to vector<16x256xf32>
      %add3A_317 = arith.addf %slice3A_315, %slice3A_316 : vector<16x256xf32>
      %logistic3A_318 = arith.negf %add3A_317 : vector<16x256xf32>
      %logistic3A_319 = math.exp %logistic3A_318 : vector<16x256xf32>
      %logistic3A_320 = arith.constant 1.000000e+00 : f32
      %logistic3A_321 = vector.broadcast %logistic3A_320 : f32 to vector<16x256xf32>
      %logistic3A_322 = arith.addf %logistic3A_321, %logistic3A_319 : vector<16x256xf32>
      %logistic3A_323 = arith.divf %logistic3A_321, %logistic3A_322 : vector<16x256xf32>
      %slice3A_324 = vector.extract_strided_slice %get3A_311 {offsets = [0, 256], sizes = [16, 256], strides = [1, 1]} : vector<16x768xf32> to vector<16x256xf32>
      %slice3A_325 = vector.extract_strided_slice %dot_general3A_314 {offsets = [0, 256], sizes = [16, 256], strides = [1, 1]} : vector<16x768xf32> to vector<16x256xf32>
      %add3A_326 = arith.addf %slice3A_324, %slice3A_325 : vector<16x256xf32>
      %logistic3A_327 = arith.negf %add3A_326 : vector<16x256xf32>
      %logistic3A_328 = math.exp %logistic3A_327 : vector<16x256xf32>
      %logistic3A_329 = arith.constant 1.000000e+00 : f32
      %logistic3A_330 = vector.broadcast %logistic3A_329 : f32 to vector<16x256xf32>
      %logistic3A_331 = arith.addf %logistic3A_330, %logistic3A_328 : vector<16x256xf32>
      %logistic3A_332 = arith.divf %logistic3A_330, %logistic3A_331 : vector<16x256xf32>
      %slice3A_333 = vector.extract_strided_slice %get3A_311 {offsets = [0, 512], sizes = [16, 256], strides = [1, 1]} : vector<16x768xf32> to vector<16x256xf32>
      %slice3A_334 = vector.extract_strided_slice %dot_general3A_314 {offsets = [0, 512], sizes = [16, 256], strides = [1, 1]} : vector<16x768xf32> to vector<16x256xf32>
      %add3A_335 = vector.broadcast %get3A_19 : vector<1x256xf32> to vector<16x256xf32>
      %add3A_336 = arith.addf %slice3A_334, %add3A_335 : vector<16x256xf32>
      %mul3A_337 = arith.mulf %logistic3A_323, %add3A_336 : vector<16x256xf32>
      %add3A_338 = arith.addf %slice3A_333, %mul3A_337 : vector<16x256xf32>
      %tanh3A_339 = math.tanh %add3A_338 : vector<16x256xf32>
      %sub3A_340 = arith.subf %add3A_302, %tanh3A_339 : vector<16x256xf32>
      %mul3A_341 = arith.mulf %logistic3A_332, %sub3A_340 : vector<16x256xf32>
      %add3A_342 = arith.addf %tanh3A_339, %mul3A_341 : vector<16x256xf32>
      %mul3A_343 = arith.constant 128 : i32
      %mul3A_344 = arith.muli %arg0, %mul3A_343 : i32
      %add3A_345 = arith.addi %mul3A_344, %add3A_306 : i32
      %lt3A_346 = vector.broadcast %add3A_345 : i32 to vector<16x256xi32>
      %lt3A_347 = arith.cmpi slt, %lt3A_346, %get3A_22 : vector<16x256xi32>
      %convert_element_type3A_348 = arith.extui %lt3A_347 : vector<16x256xi1> to vector<16x256xi32>
      %convert_element_type3A_349 = arith.sitofp %convert_element_type3A_348 : vector<16x256xi32> to vector<16x256xf32>
      %mul3A_350 = arith.mulf %convert_element_type3A_349, %add3A_342 : vector<16x256xf32>
      %broadcast_in_dim3A_351 = vector.shape_cast %mul3A_350 : vector<16x256xf32> to vector<16x1x256xf32>
      %swap3A_352 = arith.constant 0 : index
      %swap3A_353 = arith.index_cast %add3A_306 : i32 to index
      %swap3A_354 = arith.constant 0 : index
      %swap3A_355 = vector.load %arg7[%swap3A_352, %swap3A_353, %swap3A_354] : memref<16x128x256xf32, #tpu.memory_space<vmem>>, vector<16x1x256xf32>
      tpu.vector_store %arg7[%swap3A_352, %swap3A_353, %swap3A_354], %broadcast_in_dim3A_351 {strides = array<i32>} : memref<16x128x256xf32, #tpu.memory_space<vmem>>, vector<16x1x256xf32>,
      %sub3A_356 = arith.subf %add3A_342, %add3A_302 : vector<16x256xf32>
      %mul3A_357 = arith.mulf %convert_element_type3A_349, %sub3A_356 : vector<16x256xf32>
      %add3A_358 = arith.addf %add3A_302, %mul3A_357 : vector<16x256xf32>
      %mul3A_359 = arith.constant 8 : i32
      %mul3A_360 = arith.muli %while3A_82, %mul3A_359 : i32
      %add3A_361 = arith.constant 5 : i32
      %add3A_362 = arith.addi %mul3A_360, %add3A_361 : i32
      %mul3A_363 = arith.constant 16 : i32
      %mul3A_364 = arith.muli %add3A_362, %mul3A_363 : i32
      %get3A_365 = arith.index_cast %mul3A_364 : i32 to index
      %get3A_366 = arith.constant 0 : index
      %get3A_367 = vector.load %arg9[%get3A_365, %get3A_366] : memref<2048x768xf32, #tpu.memory_space<vmem>>, vector<16x768xf32>
      %convert_element_type3A_368 = arith.truncf %add3A_358 : vector<16x256xf32> to vector<16x256xbf16>
      %dot_general3A_369 = arith.constant dense<0.000000e+00> : vector<16x768xf32>
      %dot_general3A_370 = tpu.matmul %convert_element_type3A_368, %get3A_16, %dot_general3A_369 {dimension_numbers = #tpu.dot_dimension_numbers<[1], [0], [0], [1], [0, 0, 1, 1], [], []>, transpose_lhs_hint = false} : vector<16x256xbf16>, vector<256x768xbf16>, vector<16x768xf32> -> vector<16x768xf32>
      %slice3A_371 = vector.extract_strided_slice %get3A_367 {offsets = [0, 0], sizes = [16, 256], strides = [1, 1]} : vector<16x768xf32> to vector<16x256xf32>
      %slice3A_372 = vector.extract_strided_slice %dot_general3A_370 {offsets = [0, 0], sizes = [16, 256], strides = [1, 1]} : vector<16x768xf32> to vector<16x256xf32>
      %add3A_373 = arith.addf %slice3A_371, %slice3A_372 : vector<16x256xf32>
      %logistic3A_374 = arith.negf %add3A_373 : vector<16x256xf32>
      %logistic3A_375 = math.exp %logistic3A_374 : vector<16x256xf32>
      %logistic3A_376 = arith.constant 1.000000e+00 : f32
      %logistic3A_377 = vector.broadcast %logistic3A_376 : f32 to vector<16x256xf32>
      %logistic3A_378 = arith.addf %logistic3A_377, %logistic3A_375 : vector<16x256xf32>
      %logistic3A_379 = arith.divf %logistic3A_377, %logistic3A_378 : vector<16x256xf32>
      %slice3A_380 = vector.extract_strided_slice %get3A_367 {offsets = [0, 256], sizes = [16, 256], strides = [1, 1]} : vector<16x768xf32> to vector<16x256xf32>
      %slice3A_381 = vector.extract_strided_slice %dot_general3A_370 {offsets = [0, 256], sizes = [16, 256], strides = [1, 1]} : vector<16x768xf32> to vector<16x256xf32>
      %add3A_382 = arith.addf %slice3A_380, %slice3A_381 : vector<16x256xf32>
      %logistic3A_383 = arith.negf %add3A_382 : vector<16x256xf32>
      %logistic3A_384 = math.exp %logistic3A_383 : vector<16x256xf32>
      %logistic3A_385 = arith.constant 1.000000e+00 : f32
      %logistic3A_386 = vector.broadcast %logistic3A_385 : f32 to vector<16x256xf32>
      %logistic3A_387 = arith.addf %logistic3A_386, %logistic3A_384 : vector<16x256xf32>
      %logistic3A_388 = arith.divf %logistic3A_386, %logistic3A_387 : vector<16x256xf32>
      %slice3A_389 = vector.extract_strided_slice %get3A_367 {offsets = [0, 512], sizes = [16, 256], strides = [1, 1]} : vector<16x768xf32> to vector<16x256xf32>
      %slice3A_390 = vector.extract_strided_slice %dot_general3A_370 {offsets = [0, 512], sizes = [16, 256], strides = [1, 1]} : vector<16x768xf32> to vector<16x256xf32>
      %add3A_391 = vector.broadcast %get3A_19 : vector<1x256xf32> to vector<16x256xf32>
      %add3A_392 = arith.addf %slice3A_390, %add3A_391 : vector<16x256xf32>
      %mul3A_393 = arith.mulf %logistic3A_379, %add3A_392 : vector<16x256xf32>
      %add3A_394 = arith.addf %slice3A_389, %mul3A_393 : vector<16x256xf32>
      %tanh3A_395 = math.tanh %add3A_394 : vector<16x256xf32>
      %sub3A_396 = arith.subf %add3A_358, %tanh3A_395 : vector<16x256xf32>
      %mul3A_397 = arith.mulf %logistic3A_388, %sub3A_396 : vector<16x256xf32>
      %add3A_398 = arith.addf %tanh3A_395, %mul3A_397 : vector<16x256xf32>
      %mul3A_399 = arith.constant 128 : i32
      %mul3A_400 = arith.muli %arg0, %mul3A_399 : i32
      %add3A_401 = arith.addi %mul3A_400, %add3A_362 : i32
      %lt3A_402 = vector.broadcast %add3A_401 : i32 to vector<16x256xi32>
      %lt3A_403 = arith.cmpi slt, %lt3A_402, %get3A_22 : vector<16x256xi32>
      %convert_element_type3A_404 = arith.extui %lt3A_403 : vector<16x256xi1> to vector<16x256xi32>
      %convert_element_type3A_405 = arith.sitofp %convert_element_type3A_404 : vector<16x256xi32> to vector<16x256xf32>
      %mul3A_406 = arith.mulf %convert_element_type3A_405, %add3A_398 : vector<16x256xf32>
      %broadcast_in_dim3A_407 = vector.shape_cast %mul3A_406 : vector<16x256xf32> to vector<16x1x256xf32>
      %swap3A_408 = arith.constant 0 : index
      %swap3A_409 = arith.index_cast %add3A_362 : i32 to index
      %swap3A_410 = arith.constant 0 : index
      %swap3A_411 = vector.load %arg7[%swap3A_408, %swap3A_409, %swap3A_410] : memref<16x128x256xf32, #tpu.memory_space<vmem>>, vector<16x1x256xf32>
      tpu.vector_store %arg7[%swap3A_408, %swap3A_409, %swap3A_410], %broadcast_in_dim3A_407 {strides = array<i32>} : memref<16x128x256xf32, #tpu.memory_space<vmem>>, vector<16x1x256xf32>,
      %sub3A_412 = arith.subf %add3A_398, %add3A_358 : vector<16x256xf32>
      %mul3A_413 = arith.mulf %convert_element_type3A_405, %sub3A_412 : vector<16x256xf32>
      %add3A_414 = arith.addf %add3A_358, %mul3A_413 : vector<16x256xf32>
      %mul3A_415 = arith.constant 8 : i32
      %mul3A_416 = arith.muli %while3A_82, %mul3A_415 : i32
      %add3A_417 = arith.constant 6 : i32
      %add3A_418 = arith.addi %mul3A_416, %add3A_417 : i32
      %mul3A_419 = arith.constant 16 : i32
      %mul3A_420 = arith.muli %add3A_418, %mul3A_419 : i32
      %get3A_421 = arith.index_cast %mul3A_420 : i32 to index
      %get3A_422 = arith.constant 0 : index
      %get3A_423 = vector.load %arg9[%get3A_421, %get3A_422] : memref<2048x768xf32, #tpu.memory_space<vmem>>, vector<16x768xf32>
      %convert_element_type3A_424 = arith.truncf %add3A_414 : vector<16x256xf32> to vector<16x256xbf16>
      %dot_general3A_425 = arith.constant dense<0.000000e+00> : vector<16x768xf32>
      %dot_general3A_426 = tpu.matmul %convert_element_type3A_424, %get3A_16, %dot_general3A_425 {dimension_numbers = #tpu.dot_dimension_numbers<[1], [0], [0], [1], [0, 0, 1, 1], [], []>, transpose_lhs_hint = false} : vector<16x256xbf16>, vector<256x768xbf16>, vector<16x768xf32> -> vector<16x768xf32>
      %slice3A_427 = vector.extract_strided_slice %get3A_423 {offsets = [0, 0], sizes = [16, 256], strides = [1, 1]} : vector<16x768xf32> to vector<16x256xf32>
      %slice3A_428 = vector.extract_strided_slice %dot_general3A_426 {offsets = [0, 0], sizes = [16, 256], strides = [1, 1]} : vector<16x768xf32> to vector<16x256xf32>
      %add3A_429 = arith.addf %slice3A_427, %slice3A_428 : vector<16x256xf32>
      %logistic3A_430 = arith.negf %add3A_429 : vector<16x256xf32>
      %logistic3A_431 = math.exp %logistic3A_430 : vector<16x256xf32>
      %logistic3A_432 = arith.constant 1.000000e+00 : f32
      %logistic3A_433 = vector.broadcast %logistic3A_432 : f32 to vector<16x256xf32>
      %logistic3A_434 = arith.addf %logistic3A_433, %logistic3A_431 : vector<16x256xf32>
      %logistic3A_435 = arith.divf %logistic3A_433, %logistic3A_434 : vector<16x256xf32>
      %slice3A_436 = vector.extract_strided_slice %get3A_423 {offsets = [0, 256], sizes = [16, 256], strides = [1, 1]} : vector<16x768xf32> to vector<16x256xf32>
      %slice3A_437 = vector.extract_strided_slice %dot_general3A_426 {offsets = [0, 256], sizes = [16, 256], strides = [1, 1]} : vector<16x768xf32> to vector<16x256xf32>
      %add3A_438 = arith.addf %slice3A_436, %slice3A_437 : vector<16x256xf32>
      %logistic3A_439 = arith.negf %add3A_438 : vector<16x256xf32>
      %logistic3A_440 = math.exp %logistic3A_439 : vector<16x256xf32>
      %logistic3A_441 = arith.constant 1.000000e+00 : f32
      %logistic3A_442 = vector.broadcast %logistic3A_441 : f32 to vector<16x256xf32>
      %logistic3A_443 = arith.addf %logistic3A_442, %logistic3A_440 : vector<16x256xf32>
      %logistic3A_444 = arith.divf %logistic3A_442, %logistic3A_443 : vector<16x256xf32>
      %slice3A_445 = vector.extract_strided_slice %get3A_423 {offsets = [0, 512], sizes = [16, 256], strides = [1, 1]} : vector<16x768xf32> to vector<16x256xf32>
      %slice3A_446 = vector.extract_strided_slice %dot_general3A_426 {offsets = [0, 512], sizes = [16, 256], strides = [1, 1]} : vector<16x768xf32> to vector<16x256xf32>
      %add3A_447 = vector.broadcast %get3A_19 : vector<1x256xf32> to vector<16x256xf32>
      %add3A_448 = arith.addf %slice3A_446, %add3A_447 : vector<16x256xf32>
      %mul3A_449 = arith.mulf %logistic3A_435, %add3A_448 : vector<16x256xf32>
      %add3A_450 = arith.addf %slice3A_445, %mul3A_449 : vector<16x256xf32>
      %tanh3A_451 = math.tanh %add3A_450 : vector<16x256xf32>
      %sub3A_452 = arith.subf %add3A_414, %tanh3A_451 : vector<16x256xf32>
      %mul3A_453 = arith.mulf %logistic3A_444, %sub3A_452 : vector<16x256xf32>
      %add3A_454 = arith.addf %tanh3A_451, %mul3A_453 : vector<16x256xf32>
      %mul3A_455 = arith.constant 128 : i32
      %mul3A_456 = arith.muli %arg0, %mul3A_455 : i32
      %add3A_457 = arith.addi %mul3A_456, %add3A_418 : i32
      %lt3A_458 = vector.broadcast %add3A_457 : i32 to vector<16x256xi32>
      %lt3A_459 = arith.cmpi slt, %lt3A_458, %get3A_22 : vector<16x256xi32>
      %convert_element_type3A_460 = arith.extui %lt3A_459 : vector<16x256xi1> to vector<16x256xi32>
      %convert_element_type3A_461 = arith.sitofp %convert_element_type3A_460 : vector<16x256xi32> to vector<16x256xf32>
      %mul3A_462 = arith.mulf %convert_element_type3A_461, %add3A_454 : vector<16x256xf32>
      %broadcast_in_dim3A_463 = vector.shape_cast %mul3A_462 : vector<16x256xf32> to vector<16x1x256xf32>
      %swap3A_464 = arith.constant 0 : index
      %swap3A_465 = arith.index_cast %add3A_418 : i32 to index
      %swap3A_466 = arith.constant 0 : index
      %swap3A_467 = vector.load %arg7[%swap3A_464, %swap3A_465, %swap3A_466] : memref<16x128x256xf32, #tpu.memory_space<vmem>>, vector<16x1x256xf32>
      tpu.vector_store %arg7[%swap3A_464, %swap3A_465, %swap3A_466], %broadcast_in_dim3A_463 {strides = array<i32>} : memref<16x128x256xf32, #tpu.memory_space<vmem>>, vector<16x1x256xf32>,
      %sub3A_468 = arith.subf %add3A_454, %add3A_414 : vector<16x256xf32>
      %mul3A_469 = arith.mulf %convert_element_type3A_461, %sub3A_468 : vector<16x256xf32>
      %add3A_470 = arith.addf %add3A_414, %mul3A_469 : vector<16x256xf32>
      %mul3A_471 = arith.constant 8 : i32
      %mul3A_472 = arith.muli %while3A_82, %mul3A_471 : i32
      %add3A_473 = arith.constant 7 : i32
      %add3A_474 = arith.addi %mul3A_472, %add3A_473 : i32
      %mul3A_475 = arith.constant 16 : i32
      %mul3A_476 = arith.muli %add3A_474, %mul3A_475 : i32
      %get3A_477 = arith.index_cast %mul3A_476 : i32 to index
      %get3A_478 = arith.constant 0 : index
      %get3A_479 = vector.load %arg9[%get3A_477, %get3A_478] : memref<2048x768xf32, #tpu.memory_space<vmem>>, vector<16x768xf32>
      %convert_element_type3A_480 = arith.truncf %add3A_470 : vector<16x256xf32> to vector<16x256xbf16>
      %dot_general3A_481 = arith.constant dense<0.000000e+00> : vector<16x768xf32>
      %dot_general3A_482 = tpu.matmul %convert_element_type3A_480, %get3A_16, %dot_general3A_481 {dimension_numbers = #tpu.dot_dimension_numbers<[1], [0], [0], [1], [0, 0, 1, 1], [], []>, transpose_lhs_hint = false} : vector<16x256xbf16>, vector<256x768xbf16>, vector<16x768xf32> -> vector<16x768xf32>
      %slice3A_483 = vector.extract_strided_slice %get3A_479 {offsets = [0, 0], sizes = [16, 256], strides = [1, 1]} : vector<16x768xf32> to vector<16x256xf32>
      %slice3A_484 = vector.extract_strided_slice %dot_general3A_482 {offsets = [0, 0], sizes = [16, 256], strides = [1, 1]} : vector<16x768xf32> to vector<16x256xf32>
      %add3A_485 = arith.addf %slice3A_483, %slice3A_484 : vector<16x256xf32>
      %logistic3A_486 = arith.negf %add3A_485 : vector<16x256xf32>
      %logistic3A_487 = math.exp %logistic3A_486 : vector<16x256xf32>
      %logistic3A_488 = arith.constant 1.000000e+00 : f32
      %logistic3A_489 = vector.broadcast %logistic3A_488 : f32 to vector<16x256xf32>
      %logistic3A_490 = arith.addf %logistic3A_489, %logistic3A_487 : vector<16x256xf32>
      %logistic3A_491 = arith.divf %logistic3A_489, %logistic3A_490 : vector<16x256xf32>
      %slice3A_492 = vector.extract_strided_slice %get3A_479 {offsets = [0, 256], sizes = [16, 256], strides = [1, 1]} : vector<16x768xf32> to vector<16x256xf32>
      %slice3A_493 = vector.extract_strided_slice %dot_general3A_482 {offsets = [0, 256], sizes = [16, 256], strides = [1, 1]} : vector<16x768xf32> to vector<16x256xf32>
      %add3A_494 = arith.addf %slice3A_492, %slice3A_493 : vector<16x256xf32>
      %logistic3A_495 = arith.negf %add3A_494 : vector<16x256xf32>
      %logistic3A_496 = math.exp %logistic3A_495 : vector<16x256xf32>
      %logistic3A_497 = arith.constant 1.000000e+00 : f32
      %logistic3A_498 = vector.broadcast %logistic3A_497 : f32 to vector<16x256xf32>
      %logistic3A_499 = arith.addf %logistic3A_498, %logistic3A_496 : vector<16x256xf32>
      %logistic3A_500 = arith.divf %logistic3A_498, %logistic3A_499 : vector<16x256xf32>
      %slice3A_501 = vector.extract_strided_slice %get3A_479 {offsets = [0, 512], sizes = [16, 256], strides = [1, 1]} : vector<16x768xf32> to vector<16x256xf32>
      %slice3A_502 = vector.extract_strided_slice %dot_general3A_482 {offsets = [0, 512], sizes = [16, 256], strides = [1, 1]} : vector<16x768xf32> to vector<16x256xf32>
      %add3A_503 = vector.broadcast %get3A_19 : vector<1x256xf32> to vector<16x256xf32>
      %add3A_504 = arith.addf %slice3A_502, %add3A_503 : vector<16x256xf32>
      %mul3A_505 = arith.mulf %logistic3A_491, %add3A_504 : vector<16x256xf32>
      %add3A_506 = arith.addf %slice3A_501, %mul3A_505 : vector<16x256xf32>
      %tanh3A_507 = math.tanh %add3A_506 : vector<16x256xf32>
      %sub3A_508 = arith.subf %add3A_470, %tanh3A_507 : vector<16x256xf32>
      %mul3A_509 = arith.mulf %logistic3A_500, %sub3A_508 : vector<16x256xf32>
      %add3A_510 = arith.addf %tanh3A_507, %mul3A_509 : vector<16x256xf32>
      %mul3A_511 = arith.constant 128 : i32
      %mul3A_512 = arith.muli %arg0, %mul3A_511 : i32
      %add3A_513 = arith.addi %mul3A_512, %add3A_474 : i32
      %lt3A_514 = vector.broadcast %add3A_513 : i32 to vector<16x256xi32>
      %lt3A_515 = arith.cmpi slt, %lt3A_514, %get3A_22 : vector<16x256xi32>
      %convert_element_type3A_516 = arith.extui %lt3A_515 : vector<16x256xi1> to vector<16x256xi32>
      %convert_element_type3A_517 = arith.sitofp %convert_element_type3A_516 : vector<16x256xi32> to vector<16x256xf32>
      %mul3A_518 = arith.mulf %convert_element_type3A_517, %add3A_510 : vector<16x256xf32>
      %broadcast_in_dim3A_519 = vector.shape_cast %mul3A_518 : vector<16x256xf32> to vector<16x1x256xf32>
      %swap3A_520 = arith.constant 0 : index
      %swap3A_521 = arith.index_cast %add3A_474 : i32 to index
      %swap3A_522 = arith.constant 0 : index
      %swap3A_523 = vector.load %arg7[%swap3A_520, %swap3A_521, %swap3A_522] : memref<16x128x256xf32, #tpu.memory_space<vmem>>, vector<16x1x256xf32>
      tpu.vector_store %arg7[%swap3A_520, %swap3A_521, %swap3A_522], %broadcast_in_dim3A_519 {strides = array<i32>} : memref<16x128x256xf32, #tpu.memory_space<vmem>>, vector<16x1x256xf32>,
      %sub3A_524 = arith.subf %add3A_510, %add3A_470 : vector<16x256xf32>
      %mul3A_525 = arith.mulf %convert_element_type3A_517, %sub3A_524 : vector<16x256xf32>
      %add3A_526 = arith.addf %add3A_470, %mul3A_525 : vector<16x256xf32>
      scf.yield %add3A_526 : vector<16x256xf32>
    }
    %while3A_60 = arith.constant 1 : i32
    %while3A_61 = scf.for %while3A_82 = %while3A_57 to %while3A_53 step %while3A_60 iter_args(%while3A_83 = %while3A_59) -> (vector<16x256xf32>)  : i32 {
      %mul3A_84 = arith.constant 8 : i32
      %mul3A_85 = arith.muli %while3A_82, %mul3A_84 : i32
      %add3A_86 = arith.constant 0 : i32
      %add3A_87 = arith.addi %mul3A_85, %add3A_86 : i32
      %mul3A_88 = arith.constant 16 : i32
      %mul3A_89 = arith.muli %add3A_87, %mul3A_88 : i32
      %get3A_90 = arith.index_cast %mul3A_89 : i32 to index
      %get3A_91 = arith.constant 0 : index
      %get3A_92 = vector.load %arg9[%get3A_90, %get3A_91] : memref<2048x768xf32, #tpu.memory_space<vmem>>, vector<16x768xf32>
      %convert_element_type3A_93 = arith.truncf %while3A_83 : vector<16x256xf32> to vector<16x256xbf16>
      %dot_general3A_94 = arith.constant dense<0.000000e+00> : vector<16x768xf32>
      %dot_general3A_95 = tpu.matmul %convert_element_type3A_93, %get3A_16, %dot_general3A_94 {dimension_numbers = #tpu.dot_dimension_numbers<[1], [0], [0], [1], [0, 0, 1, 1], [], []>, transpose_lhs_hint = false} : vector<16x256xbf16>, vector<256x768xbf16>, vector<16x768xf32> -> vector<16x768xf32>
      %slice3A = vector.extract_strided_slice %get3A_92 {offsets = [0, 0], sizes = [16, 256], strides = [1, 1]} : vector<16x768xf32> to vector<16x256xf32>
      %slice3A_96 = vector.extract_strided_slice %dot_general3A_95 {offsets = [0, 0], sizes = [16, 256], strides = [1, 1]} : vector<16x768xf32> to vector<16x256xf32>
      %add3A_97 = arith.addf %slice3A, %slice3A_96 : vector<16x256xf32>
      %logistic3A = arith.negf %add3A_97 : vector<16x256xf32>
      %logistic3A_98 = math.exp %logistic3A : vector<16x256xf32>
      %logistic3A_99 = arith.constant 1.000000e+00 : f32
      %logistic3A_100 = vector.broadcast %logistic3A_99 : f32 to vector<16x256xf32>
      %logistic3A_101 = arith.addf %logistic3A_100, %logistic3A_98 : vector<16x256xf32>
      %logistic3A_102 = arith.divf %logistic3A_100, %logistic3A_101 : vector<16x256xf32>
      %slice3A_103 = vector.extract_strided_slice %get3A_92 {offsets = [0, 256], sizes = [16, 256], strides = [1, 1]} : vector<16x768xf32> to vector<16x256xf32>
      %slice3A_104 = vector.extract_strided_slice %dot_general3A_95 {offsets = [0, 256], sizes = [16, 256], strides = [1, 1]} : vector<16x768xf32> to vector<16x256xf32>
      %add3A_105 = arith.addf %slice3A_103, %slice3A_104 : vector<16x256xf32>
      %logistic3A_106 = arith.negf %add3A_105 : vector<16x256xf32>
      %logistic3A_107 = math.exp %logistic3A_106 : vector<16x256xf32>
      %logistic3A_108 = arith.constant 1.000000e+00 : f32
      %logistic3A_109 = vector.broadcast %logistic3A_108 : f32 to vector<16x256xf32>
      %logistic3A_110 = arith.addf %logistic3A_109, %logistic3A_107 : vector<16x256xf32>
      %logistic3A_111 = arith.divf %logistic3A_109, %logistic3A_110 : vector<16x256xf32>
      %slice3A_112 = vector.extract_strided_slice %get3A_92 {offsets = [0, 512], sizes = [16, 256], strides = [1, 1]} : vector<16x768xf32> to vector<16x256xf32>
      %slice3A_113 = vector.extract_strided_slice %dot_general3A_95 {offsets = [0, 512], sizes = [16, 256], strides = [1, 1]} : vector<16x768xf32> to vector<16x256xf32>
      %add3A_114 = vector.broadcast %get3A_19 : vector<1x256xf32> to vector<16x256xf32>
      %add3A_115 = arith.addf %slice3A_113, %add3A_114 : vector<16x256xf32>
      %mul3A_116 = arith.mulf %logistic3A_102, %add3A_115 : vector<16x256xf32>
      %add3A_117 = arith.addf %slice3A_112, %mul3A_116 : vector<16x256xf32>
      %tanh3A = math.tanh %add3A_117 : vector<16x256xf32>
      %sub3A_118 = arith.subf %while3A_83, %tanh3A : vector<16x256xf32>
      %mul3A_119 = arith.mulf %logistic3A_111, %sub3A_118 : vector<16x256xf32>
      %add3A_120 = arith.addf %tanh3A, %mul3A_119 : vector<16x256xf32>
      %mul3A_121 = arith.constant 128 : i32
      %mul3A_122 = arith.muli %arg0, %mul3A_121 : i32
      %add3A_123 = arith.addi %mul3A_122, %add3A_87 : i32
      %lt3A = vector.broadcast %add3A_123 : i32 to vector<16x256xi32>
      %lt3A_124 = arith.cmpi slt, %lt3A, %get3A_22 : vector<16x256xi32>
      %convert_element_type3A_125 = arith.extui %lt3A_124 : vector<16x256xi1> to vector<16x256xi32>
      %convert_element_type3A_126 = arith.sitofp %convert_element_type3A_125 : vector<16x256xi32> to vector<16x256xf32>
      %mul3A_127 = arith.mulf %convert_element_type3A_126, %add3A_120 : vector<16x256xf32>
      %broadcast_in_dim3A = vector.shape_cast %mul3A_127 : vector<16x256xf32> to vector<16x1x256xf32>
      %swap3A_128 = arith.constant 0 : index
      %swap3A_129 = arith.index_cast %add3A_87 : i32 to index
      %swap3A_130 = arith.constant 0 : index
      %swap3A_131 = vector.load %arg7[%swap3A_128, %swap3A_129, %swap3A_130] : memref<16x128x256xf32, #tpu.memory_space<vmem>>, vector<16x1x256xf32>
      tpu.vector_store %arg7[%swap3A_128, %swap3A_129, %swap3A_130], %broadcast_in_dim3A {strides = array<i32>} : memref<16x128x256xf32, #tpu.memory_space<vmem>>, vector<16x1x256xf32>,
      %sub3A_132 = arith.subf %add3A_120, %while3A_83 : vector<16x256xf32>
      %mul3A_133 = arith.mulf %convert_element_type3A_126, %sub3A_132 : vector<16x256xf32>
      %add3A_134 = arith.addf %while3A_83, %mul3A_133 : vector<16x256xf32>
      %mul3A_135 = arith.constant 8 : i32
      %mul3A_136 = arith.muli %while3A_82, %mul3A_135 : i32
      %add3A_137 = arith.constant 1 : i32
      %add3A_138 = arith.addi %mul3A_136, %add3A_137 : i32
      %mul3A_139 = arith.constant 16 : i32
      %mul3A_140 = arith.muli %add3A_138, %mul3A_139 : i32
      %get3A_141 = arith.index_cast %mul3A_140 : i32 to index
      %get3A_142 = arith.constant 0 : index
      %get3A_143 = vector.load %arg9[%get3A_141, %get3A_142] : memref<2048x768xf32, #tpu.memory_space<vmem>>, vector<16x768xf32>
      %convert_element_type3A_144 = arith.truncf %add3A_134 : vector<16x256xf32> to vector<16x256xbf16>
      %dot_general3A_145 = arith.constant dense<0.000000e+00> : vector<16x768xf32>
      %dot_general3A_146 = tpu.matmul %convert_element_type3A_144, %get3A_16, %dot_general3A_145 {dimension_numbers = #tpu.dot_dimension_numbers<[1], [0], [0], [1], [0, 0, 1, 1], [], []>, transpose_lhs_hint = false} : vector<16x256xbf16>, vector<256x768xbf16>, vector<16x768xf32> -> vector<16x768xf32>
      %slice3A_147 = vector.extract_strided_slice %get3A_143 {offsets = [0, 0], sizes = [16, 256], strides = [1, 1]} : vector<16x768xf32> to vector<16x256xf32>
      %slice3A_148 = vector.extract_strided_slice %dot_general3A_146 {offsets = [0, 0], sizes = [16, 256], strides = [1, 1]} : vector<16x768xf32> to vector<16x256xf32>
      %add3A_149 = arith.addf %slice3A_147, %slice3A_148 : vector<16x256xf32>
      %logistic3A_150 = arith.negf %add3A_149 : vector<16x256xf32>
      %logistic3A_151 = math.exp %logistic3A_150 : vector<16x256xf32>
      %logistic3A_152 = arith.constant 1.000000e+00 : f32
      %logistic3A_153 = vector.broadcast %logistic3A_152 : f32 to vector<16x256xf32>
      %logistic3A_154 = arith.addf %logistic3A_153, %logistic3A_151 : vector<16x256xf32>
      %logistic3A_155 = arith.divf %logistic3A_153, %logistic3A_154 : vector<16x256xf32>
      %slice3A_156 = vector.extract_strided_slice %get3A_143 {offsets = [0, 256], sizes = [16, 256], strides = [1, 1]} : vector<16x768xf32> to vector<16x256xf32>
      %slice3A_157 = vector.extract_strided_slice %dot_general3A_146 {offsets = [0, 256], sizes = [16, 256], strides = [1, 1]} : vector<16x768xf32> to vector<16x256xf32>
      %add3A_158 = arith.addf %slice3A_156, %slice3A_157 : vector<16x256xf32>
      %logistic3A_159 = arith.negf %add3A_158 : vector<16x256xf32>
      %logistic3A_160 = math.exp %logistic3A_159 : vector<16x256xf32>
      %logistic3A_161 = arith.constant 1.000000e+00 : f32
      %logistic3A_162 = vector.broadcast %logistic3A_161 : f32 to vector<16x256xf32>
      %logistic3A_163 = arith.addf %logistic3A_162, %logistic3A_160 : vector<16x256xf32>
      %logistic3A_164 = arith.divf %logistic3A_162, %logistic3A_163 : vector<16x256xf32>
      %slice3A_165 = vector.extract_strided_slice %get3A_143 {offsets = [0, 512], sizes = [16, 256], strides = [1, 1]} : vector<16x768xf32> to vector<16x256xf32>
      %slice3A_166 = vector.extract_strided_slice %dot_general3A_146 {offsets = [0, 512], sizes = [16, 256], strides = [1, 1]} : vector<16x768xf32> to vector<16x256xf32>
      %add3A_167 = vector.broadcast %get3A_19 : vector<1x256xf32> to vector<16x256xf32>
      %add3A_168 = arith.addf %slice3A_166, %add3A_167 : vector<16x256xf32>
      %mul3A_169 = arith.mulf %logistic3A_155, %add3A_168 : vector<16x256xf32>
      %add3A_170 = arith.addf %slice3A_165, %mul3A_169 : vector<16x256xf32>
      %tanh3A_171 = math.tanh %add3A_170 : vector<16x256xf32>
      %sub3A_172 = arith.subf %add3A_134, %tanh3A_171 : vector<16x256xf32>
      %mul3A_173 = arith.mulf %logistic3A_164, %sub3A_172 : vector<16x256xf32>
      %add3A_174 = arith.addf %tanh3A_171, %mul3A_173 : vector<16x256xf32>
      %mul3A_175 = arith.constant 128 : i32
      %mul3A_176 = arith.muli %arg0, %mul3A_175 : i32
      %add3A_177 = arith.addi %mul3A_176, %add3A_138 : i32
      %lt3A_178 = vector.broadcast %add3A_177 : i32 to vector<16x256xi32>
      %lt3A_179 = arith.cmpi slt, %lt3A_178, %get3A_22 : vector<16x256xi32>
      %convert_element_type3A_180 = arith.extui %lt3A_179 : vector<16x256xi1> to vector<16x256xi32>
      %convert_element_type3A_181 = arith.sitofp %convert_element_type3A_180 : vector<16x256xi32> to vector<16x256xf32>
      %mul3A_182 = arith.mulf %convert_element_type3A_181, %add3A_174 : vector<16x256xf32>
      %broadcast_in_dim3A_183 = vector.shape_cast %mul3A_182 : vector<16x256xf32> to vector<16x1x256xf32>
      %swap3A_184 = arith.constant 0 : index
      %swap3A_185 = arith.index_cast %add3A_138 : i32 to index
      %swap3A_186 = arith.constant 0 : index
      %swap3A_187 = vector.load %arg7[%swap3A_184, %swap3A_185, %swap3A_186] : memref<16x128x256xf32, #tpu.memory_space<vmem>>, vector<16x1x256xf32>
      tpu.vector_store %arg7[%swap3A_184, %swap3A_185, %swap3A_186], %broadcast_in_dim3A_183 {strides = array<i32>} : memref<16x128x256xf32, #tpu.memory_space<vmem>>, vector<16x1x256xf32>,
      %sub3A_188 = arith.subf %add3A_174, %add3A_134 : vector<16x256xf32>
      %mul3A_189 = arith.mulf %convert_element_type3A_181, %sub3A_188 : vector<16x256xf32>
      %add3A_190 = arith.addf %add3A_134, %mul3A_189 : vector<16x256xf32>
      %mul3A_191 = arith.constant 8 : i32
      %mul3A_192 = arith.muli %while3A_82, %mul3A_191 : i32
      %add3A_193 = arith.constant 2 : i32
      %add3A_194 = arith.addi %mul3A_192, %add3A_193 : i32
      %mul3A_195 = arith.constant 16 : i32
      %mul3A_196 = arith.muli %add3A_194, %mul3A_195 : i32
      %get3A_197 = arith.index_cast %mul3A_196 : i32 to index
      %get3A_198 = arith.constant 0 : index
      %get3A_199 = vector.load %arg9[%get3A_197, %get3A_198] : memref<2048x768xf32, #tpu.memory_space<vmem>>, vector<16x768xf32>
      %convert_element_type3A_200 = arith.truncf %add3A_190 : vector<16x256xf32> to vector<16x256xbf16>
      %dot_general3A_201 = arith.constant dense<0.000000e+00> : vector<16x768xf32>
      %dot_general3A_202 = tpu.matmul %convert_element_type3A_200, %get3A_16, %dot_general3A_201 {dimension_numbers = #tpu.dot_dimension_numbers<[1], [0], [0], [1], [0, 0, 1, 1], [], []>, transpose_lhs_hint = false} : vector<16x256xbf16>, vector<256x768xbf16>, vector<16x768xf32> -> vector<16x768xf32>
      %slice3A_203 = vector.extract_strided_slice %get3A_199 {offsets = [0, 0], sizes = [16, 256], strides = [1, 1]} : vector<16x768xf32> to vector<16x256xf32>
      %slice3A_204 = vector.extract_strided_slice %dot_general3A_202 {offsets = [0, 0], sizes = [16, 256], strides = [1, 1]} : vector<16x768xf32> to vector<16x256xf32>
      %add3A_205 = arith.addf %slice3A_203, %slice3A_204 : vector<16x256xf32>
      %logistic3A_206 = arith.negf %add3A_205 : vector<16x256xf32>
      %logistic3A_207 = math.exp %logistic3A_206 : vector<16x256xf32>
      %logistic3A_208 = arith.constant 1.000000e+00 : f32
      %logistic3A_209 = vector.broadcast %logistic3A_208 : f32 to vector<16x256xf32>
      %logistic3A_210 = arith.addf %logistic3A_209, %logistic3A_207 : vector<16x256xf32>
      %logistic3A_211 = arith.divf %logistic3A_209, %logistic3A_210 : vector<16x256xf32>
      %slice3A_212 = vector.extract_strided_slice %get3A_199 {offsets = [0, 256], sizes = [16, 256], strides = [1, 1]} : vector<16x768xf32> to vector<16x256xf32>
      %slice3A_213 = vector.extract_strided_slice %dot_general3A_202 {offsets = [0, 256], sizes = [16, 256], strides = [1, 1]} : vector<16x768xf32> to vector<16x256xf32>
      %add3A_214 = arith.addf %slice3A_212, %slice3A_213 : vector<16x256xf32>
      %logistic3A_215 = arith.negf %add3A_214 : vector<16x256xf32>
      %logistic3A_216 = math.exp %logistic3A_215 : vector<16x256xf32>
      %logistic3A_217 = arith.constant 1.000000e+00 : f32
      %logistic3A_218 = vector.broadcast %logistic3A_217 : f32 to vector<16x256xf32>
      %logistic3A_219 = arith.addf %logistic3A_218, %logistic3A_216 : vector<16x256xf32>
      %logistic3A_220 = arith.divf %logistic3A_218, %logistic3A_219 : vector<16x256xf32>
      %slice3A_221 = vector.extract_strided_slice %get3A_199 {offsets = [0, 512], sizes = [16, 256], strides = [1, 1]} : vector<16x768xf32> to vector<16x256xf32>
      %slice3A_222 = vector.extract_strided_slice %dot_general3A_202 {offsets = [0, 512], sizes = [16, 256], strides = [1, 1]} : vector<16x768xf32> to vector<16x256xf32>
      %add3A_223 = vector.broadcast %get3A_19 : vector<1x256xf32> to vector<16x256xf32>
      %add3A_224 = arith.addf %slice3A_222, %add3A_223 : vector<16x256xf32>
      %mul3A_225 = arith.mulf %logistic3A_211, %add3A_224 : vector<16x256xf32>
      %add3A_226 = arith.addf %slice3A_221, %mul3A_225 : vector<16x256xf32>
      %tanh3A_227 = math.tanh %add3A_226 : vector<16x256xf32>
      %sub3A_228 = arith.subf %add3A_190, %tanh3A_227 : vector<16x256xf32>
      %mul3A_229 = arith.mulf %logistic3A_220, %sub3A_228 : vector<16x256xf32>
      %add3A_230 = arith.addf %tanh3A_227, %mul3A_229 : vector<16x256xf32>
      %mul3A_231 = arith.constant 128 : i32
      %mul3A_232 = arith.muli %arg0, %mul3A_231 : i32
      %add3A_233 = arith.addi %mul3A_232, %add3A_194 : i32
      %lt3A_234 = vector.broadcast %add3A_233 : i32 to vector<16x256xi32>
      %lt3A_235 = arith.cmpi slt, %lt3A_234, %get3A_22 : vector<16x256xi32>
      %convert_element_type3A_236 = arith.extui %lt3A_235 : vector<16x256xi1> to vector<16x256xi32>
      %convert_element_type3A_237 = arith.sitofp %convert_element_type3A_236 : vector<16x256xi32> to vector<16x256xf32>
      %mul3A_238 = arith.mulf %convert_element_type3A_237, %add3A_230 : vector<16x256xf32>
      %broadcast_in_dim3A_239 = vector.shape_cast %mul3A_238 : vector<16x256xf32> to vector<16x1x256xf32>
      %swap3A_240 = arith.constant 0 : index
      %swap3A_241 = arith.index_cast %add3A_194 : i32 to index
      %swap3A_242 = arith.constant 0 : index
      %swap3A_243 = vector.load %arg7[%swap3A_240, %swap3A_241, %swap3A_242] : memref<16x128x256xf32, #tpu.memory_space<vmem>>, vector<16x1x256xf32>
      tpu.vector_store %arg7[%swap3A_240, %swap3A_241, %swap3A_242], %broadcast_in_dim3A_239 {strides = array<i32>} : memref<16x128x256xf32, #tpu.memory_space<vmem>>, vector<16x1x256xf32>,
      %sub3A_244 = arith.subf %add3A_230, %add3A_190 : vector<16x256xf32>
      %mul3A_245 = arith.mulf %convert_element_type3A_237, %sub3A_244 : vector<16x256xf32>
      %add3A_246 = arith.addf %add3A_190, %mul3A_245 : vector<16x256xf32>
      %mul3A_247 = arith.constant 8 : i32
      %mul3A_248 = arith.muli %while3A_82, %mul3A_247 : i32
      %add3A_249 = arith.constant 3 : i32
      %add3A_250 = arith.addi %mul3A_248, %add3A_249 : i32
      %mul3A_251 = arith.constant 16 : i32
      %mul3A_252 = arith.muli %add3A_250, %mul3A_251 : i32
      %get3A_253 = arith.index_cast %mul3A_252 : i32 to index
      %get3A_254 = arith.constant 0 : index
      %get3A_255 = vector.load %arg9[%get3A_253, %get3A_254] : memref<2048x768xf32, #tpu.memory_space<vmem>>, vector<16x768xf32>
      %convert_element_type3A_256 = arith.truncf %add3A_246 : vector<16x256xf32> to vector<16x256xbf16>
      %dot_general3A_257 = arith.constant dense<0.000000e+00> : vector<16x768xf32>
      %dot_general3A_258 = tpu.matmul %convert_element_type3A_256, %get3A_16, %dot_general3A_257 {dimension_numbers = #tpu.dot_dimension_numbers<[1], [0], [0], [1], [0, 0, 1, 1], [], []>, transpose_lhs_hint = false} : vector<16x256xbf16>, vector<256x768xbf16>, vector<16x768xf32> -> vector<16x768xf32>
      %slice3A_259 = vector.extract_strided_slice %get3A_255 {offsets = [0, 0], sizes = [16, 256], strides = [1, 1]} : vector<16x768xf32> to vector<16x256xf32>
      %slice3A_260 = vector.extract_strided_slice %dot_general3A_258 {offsets = [0, 0], sizes = [16, 256], strides = [1, 1]} : vector<16x768xf32> to vector<16x256xf32>
      %add3A_261 = arith.addf %slice3A_259, %slice3A_260 : vector<16x256xf32>
      %logistic3A_262 = arith.negf %add3A_261 : vector<16x256xf32>
      %logistic3A_263 = math.exp %logistic3A_262 : vector<16x256xf32>
      %logistic3A_264 = arith.constant 1.000000e+00 : f32
      %logistic3A_265 = vector.broadcast %logistic3A_264 : f32 to vector<16x256xf32>
      %logistic3A_266 = arith.addf %logistic3A_265, %logistic3A_263 : vector<16x256xf32>
      %logistic3A_267 = arith.divf %logistic3A_265, %logistic3A_266 : vector<16x256xf32>
      %slice3A_268 = vector.extract_strided_slice %get3A_255 {offsets = [0, 256], sizes = [16, 256], strides = [1, 1]} : vector<16x768xf32> to vector<16x256xf32>
      %slice3A_269 = vector.extract_strided_slice %dot_general3A_258 {offsets = [0, 256], sizes = [16, 256], strides = [1, 1]} : vector<16x768xf32> to vector<16x256xf32>
      %add3A_270 = arith.addf %slice3A_268, %slice3A_269 : vector<16x256xf32>
      %logistic3A_271 = arith.negf %add3A_270 : vector<16x256xf32>
      %logistic3A_272 = math.exp %logistic3A_271 : vector<16x256xf32>
      %logistic3A_273 = arith.constant 1.000000e+00 : f32
      %logistic3A_274 = vector.broadcast %logistic3A_273 : f32 to vector<16x256xf32>
      %logistic3A_275 = arith.addf %logistic3A_274, %logistic3A_272 : vector<16x256xf32>
      %logistic3A_276 = arith.divf %logistic3A_274, %logistic3A_275 : vector<16x256xf32>
      %slice3A_277 = vector.extract_strided_slice %get3A_255 {offsets = [0, 512], sizes = [16, 256], strides = [1, 1]} : vector<16x768xf32> to vector<16x256xf32>
      %slice3A_278 = vector.extract_strided_slice %dot_general3A_258 {offsets = [0, 512], sizes = [16, 256], strides = [1, 1]} : vector<16x768xf32> to vector<16x256xf32>
      %add3A_279 = vector.broadcast %get3A_19 : vector<1x256xf32> to vector<16x256xf32>
      %add3A_280 = arith.addf %slice3A_278, %add3A_279 : vector<16x256xf32>
      %mul3A_281 = arith.mulf %logistic3A_267, %add3A_280 : vector<16x256xf32>
      %add3A_282 = arith.addf %slice3A_277, %mul3A_281 : vector<16x256xf32>
      %tanh3A_283 = math.tanh %add3A_282 : vector<16x256xf32>
      %sub3A_284 = arith.subf %add3A_246, %tanh3A_283 : vector<16x256xf32>
      %mul3A_285 = arith.mulf %logistic3A_276, %sub3A_284 : vector<16x256xf32>
      %add3A_286 = arith.addf %tanh3A_283, %mul3A_285 : vector<16x256xf32>
      %mul3A_287 = arith.constant 128 : i32
      %mul3A_288 = arith.muli %arg0, %mul3A_287 : i32
      %add3A_289 = arith.addi %mul3A_288, %add3A_250 : i32
      %lt3A_290 = vector.broadcast %add3A_289 : i32 to vector<16x256xi32>
      %lt3A_291 = arith.cmpi slt, %lt3A_290, %get3A_22 : vector<16x256xi32>
      %convert_element_type3A_292 = arith.extui %lt3A_291 : vector<16x256xi1> to vector<16x256xi32>
      %convert_element_type3A_293 = arith.sitofp %convert_element_type3A_292 : vector<16x256xi32> to vector<16x256xf32>
      %mul3A_294 = arith.mulf %convert_element_type3A_293, %add3A_286 : vector<16x256xf32>
      %broadcast_in_dim3A_295 = vector.shape_cast %mul3A_294 : vector<16x256xf32> to vector<16x1x256xf32>
      %swap3A_296 = arith.constant 0 : index
      %swap3A_297 = arith.index_cast %add3A_250 : i32 to index
      %swap3A_298 = arith.constant 0 : index
      %swap3A_299 = vector.load %arg7[%swap3A_296, %swap3A_297, %swap3A_298] : memref<16x128x256xf32, #tpu.memory_space<vmem>>, vector<16x1x256xf32>
      tpu.vector_store %arg7[%swap3A_296, %swap3A_297, %swap3A_298], %broadcast_in_dim3A_295 {strides = array<i32>} : memref<16x128x256xf32, #tpu.memory_space<vmem>>, vector<16x1x256xf32>,
      %sub3A_300 = arith.subf %add3A_286, %add3A_246 : vector<16x256xf32>
      %mul3A_301 = arith.mulf %convert_element_type3A_293, %sub3A_300 : vector<16x256xf32>
      %add3A_302 = arith.addf %add3A_246, %mul3A_301 : vector<16x256xf32>
      %mul3A_303 = arith.constant 8 : i32
      %mul3A_304 = arith.muli %while3A_82, %mul3A_303 : i32
      %add3A_305 = arith.constant 4 : i32
      %add3A_306 = arith.addi %mul3A_304, %add3A_305 : i32
      %mul3A_307 = arith.constant 16 : i32
      %mul3A_308 = arith.muli %add3A_306, %mul3A_307 : i32
      %get3A_309 = arith.index_cast %mul3A_308 : i32 to index
      %get3A_310 = arith.constant 0 : index
      %get3A_311 = vector.load %arg9[%get3A_309, %get3A_310] : memref<2048x768xf32, #tpu.memory_space<vmem>>, vector<16x768xf32>
      %convert_element_type3A_312 = arith.truncf %add3A_302 : vector<16x256xf32> to vector<16x256xbf16>
      %dot_general3A_313 = arith.constant dense<0.000000e+00> : vector<16x768xf32>
      %dot_general3A_314 = tpu.matmul %convert_element_type3A_312, %get3A_16, %dot_general3A_313 {dimension_numbers = #tpu.dot_dimension_numbers<[1], [0], [0], [1], [0, 0, 1, 1], [], []>, transpose_lhs_hint = false} : vector<16x256xbf16>, vector<256x768xbf16>, vector<16x768xf32> -> vector<16x768xf32>
      %slice3A_315 = vector.extract_strided_slice %get3A_311 {offsets = [0, 0], sizes = [16, 256], strides = [1, 1]} : vector<16x768xf32> to vector<16x256xf32>
      %slice3A_316 = vector.extract_strided_slice %dot_general3A_314 {offsets = [0, 0], sizes = [16, 256], strides = [1, 1]} : vector<16x768xf32> to vector<16x256xf32>
      %add3A_317 = arith.addf %slice3A_315, %slice3A_316 : vector<16x256xf32>
      %logistic3A_318 = arith.negf %add3A_317 : vector<16x256xf32>
      %logistic3A_319 = math.exp %logistic3A_318 : vector<16x256xf32>
      %logistic3A_320 = arith.constant 1.000000e+00 : f32
      %logistic3A_321 = vector.broadcast %logistic3A_320 : f32 to vector<16x256xf32>
      %logistic3A_322 = arith.addf %logistic3A_321, %logistic3A_319 : vector<16x256xf32>
      %logistic3A_323 = arith.divf %logistic3A_321, %logistic3A_322 : vector<16x256xf32>
      %slice3A_324 = vector.extract_strided_slice %get3A_311 {offsets = [0, 256], sizes = [16, 256], strides = [1, 1]} : vector<16x768xf32> to vector<16x256xf32>
      %slice3A_325 = vector.extract_strided_slice %dot_general3A_314 {offsets = [0, 256], sizes = [16, 256], strides = [1, 1]} : vector<16x768xf32> to vector<16x256xf32>
      %add3A_326 = arith.addf %slice3A_324, %slice3A_325 : vector<16x256xf32>
      %logistic3A_327 = arith.negf %add3A_326 : vector<16x256xf32>
      %logistic3A_328 = math.exp %logistic3A_327 : vector<16x256xf32>
      %logistic3A_329 = arith.constant 1.000000e+00 : f32
      %logistic3A_330 = vector.broadcast %logistic3A_329 : f32 to vector<16x256xf32>
      %logistic3A_331 = arith.addf %logistic3A_330, %logistic3A_328 : vector<16x256xf32>
      %logistic3A_332 = arith.divf %logistic3A_330, %logistic3A_331 : vector<16x256xf32>
      %slice3A_333 = vector.extract_strided_slice %get3A_311 {offsets = [0, 512], sizes = [16, 256], strides = [1, 1]} : vector<16x768xf32> to vector<16x256xf32>
      %slice3A_334 = vector.extract_strided_slice %dot_general3A_314 {offsets = [0, 512], sizes = [16, 256], strides = [1, 1]} : vector<16x768xf32> to vector<16x256xf32>
      %add3A_335 = vector.broadcast %get3A_19 : vector<1x256xf32> to vector<16x256xf32>
      %add3A_336 = arith.addf %slice3A_334, %add3A_335 : vector<16x256xf32>
      %mul3A_337 = arith.mulf %logistic3A_323, %add3A_336 : vector<16x256xf32>
      %add3A_338 = arith.addf %slice3A_333, %mul3A_337 : vector<16x256xf32>
      %tanh3A_339 = math.tanh %add3A_338 : vector<16x256xf32>
      %sub3A_340 = arith.subf %add3A_302, %tanh3A_339 : vector<16x256xf32>
      %mul3A_341 = arith.mulf %logistic3A_332, %sub3A_340 : vector<16x256xf32>
      %add3A_342 = arith.addf %tanh3A_339, %mul3A_341 : vector<16x256xf32>
      %mul3A_343 = arith.constant 128 : i32
      %mul3A_344 = arith.muli %arg0, %mul3A_343 : i32
      %add3A_345 = arith.addi %mul3A_344, %add3A_306 : i32
      %lt3A_346 = vector.broadcast %add3A_345 : i32 to vector<16x256xi32>
      %lt3A_347 = arith.cmpi slt, %lt3A_346, %get3A_22 : vector<16x256xi32>
      %convert_element_type3A_348 = arith.extui %lt3A_347 : vector<16x256xi1> to vector<16x256xi32>
      %convert_element_type3A_349 = arith.sitofp %convert_element_type3A_348 : vector<16x256xi32> to vector<16x256xf32>
      %mul3A_350 = arith.mulf %convert_element_type3A_349, %add3A_342 : vector<16x256xf32>
      %broadcast_in_dim3A_351 = vector.shape_cast %mul3A_350 : vector<16x256xf32> to vector<16x1x256xf32>
      %swap3A_352 = arith.constant 0 : index
      %swap3A_353 = arith.index_cast %add3A_306 : i32 to index
      %swap3A_354 = arith.constant 0 : index
      %swap3A_355 = vector.load %arg7[%swap3A_352, %swap3A_353, %swap3A_354] : memref<16x128x256xf32, #tpu.memory_space<vmem>>, vector<16x1x256xf32>
      tpu.vector_store %arg7[%swap3A_352, %swap3A_353, %swap3A_354], %broadcast_in_dim3A_351 {strides = array<i32>} : memref<16x128x256xf32, #tpu.memory_space<vmem>>, vector<16x1x256xf32>,
      %sub3A_356 = arith.subf %add3A_342, %add3A_302 : vector<16x256xf32>
      %mul3A_357 = arith.mulf %convert_element_type3A_349, %sub3A_356 : vector<16x256xf32>
      %add3A_358 = arith.addf %add3A_302, %mul3A_357 : vector<16x256xf32>
      %mul3A_359 = arith.constant 8 : i32
      %mul3A_360 = arith.muli %while3A_82, %mul3A_359 : i32
      %add3A_361 = arith.constant 5 : i32
      %add3A_362 = arith.addi %mul3A_360, %add3A_361 : i32
      %mul3A_363 = arith.constant 16 : i32
      %mul3A_364 = arith.muli %add3A_362, %mul3A_363 : i32
      %get3A_365 = arith.index_cast %mul3A_364 : i32 to index
      %get3A_366 = arith.constant 0 : index
      %get3A_367 = vector.load %arg9[%get3A_365, %get3A_366] : memref<2048x768xf32, #tpu.memory_space<vmem>>, vector<16x768xf32>
      %convert_element_type3A_368 = arith.truncf %add3A_358 : vector<16x256xf32> to vector<16x256xbf16>
      %dot_general3A_369 = arith.constant dense<0.000000e+00> : vector<16x768xf32>
      %dot_general3A_370 = tpu.matmul %convert_element_type3A_368, %get3A_16, %dot_general3A_369 {dimension_numbers = #tpu.dot_dimension_numbers<[1], [0], [0], [1], [0, 0, 1, 1], [], []>, transpose_lhs_hint = false} : vector<16x256xbf16>, vector<256x768xbf16>, vector<16x768xf32> -> vector<16x768xf32>
      %slice3A_371 = vector.extract_strided_slice %get3A_367 {offsets = [0, 0], sizes = [16, 256], strides = [1, 1]} : vector<16x768xf32> to vector<16x256xf32>
      %slice3A_372 = vector.extract_strided_slice %dot_general3A_370 {offsets = [0, 0], sizes = [16, 256], strides = [1, 1]} : vector<16x768xf32> to vector<16x256xf32>
      %add3A_373 = arith.addf %slice3A_371, %slice3A_372 : vector<16x256xf32>
      %logistic3A_374 = arith.negf %add3A_373 : vector<16x256xf32>
      %logistic3A_375 = math.exp %logistic3A_374 : vector<16x256xf32>
      %logistic3A_376 = arith.constant 1.000000e+00 : f32
      %logistic3A_377 = vector.broadcast %logistic3A_376 : f32 to vector<16x256xf32>
      %logistic3A_378 = arith.addf %logistic3A_377, %logistic3A_375 : vector<16x256xf32>
      %logistic3A_379 = arith.divf %logistic3A_377, %logistic3A_378 : vector<16x256xf32>
      %slice3A_380 = vector.extract_strided_slice %get3A_367 {offsets = [0, 256], sizes = [16, 256], strides = [1, 1]} : vector<16x768xf32> to vector<16x256xf32>
      %slice3A_381 = vector.extract_strided_slice %dot_general3A_370 {offsets = [0, 256], sizes = [16, 256], strides = [1, 1]} : vector<16x768xf32> to vector<16x256xf32>
      %add3A_382 = arith.addf %slice3A_380, %slice3A_381 : vector<16x256xf32>
      %logistic3A_383 = arith.negf %add3A_382 : vector<16x256xf32>
      %logistic3A_384 = math.exp %logistic3A_383 : vector<16x256xf32>
      %logistic3A_385 = arith.constant 1.000000e+00 : f32
      %logistic3A_386 = vector.broadcast %logistic3A_385 : f32 to vector<16x256xf32>
      %logistic3A_387 = arith.addf %logistic3A_386, %logistic3A_384 : vector<16x256xf32>
      %logistic3A_388 = arith.divf %logistic3A_386, %logistic3A_387 : vector<16x256xf32>
      %slice3A_389 = vector.extract_strided_slice %get3A_367 {offsets = [0, 512], sizes = [16, 256], strides = [1, 1]} : vector<16x768xf32> to vector<16x256xf32>
      %slice3A_390 = vector.extract_strided_slice %dot_general3A_370 {offsets = [0, 512], sizes = [16, 256], strides = [1, 1]} : vector<16x768xf32> to vector<16x256xf32>
      %add3A_391 = vector.broadcast %get3A_19 : vector<1x256xf32> to vector<16x256xf32>
      %add3A_392 = arith.addf %slice3A_390, %add3A_391 : vector<16x256xf32>
      %mul3A_393 = arith.mulf %logistic3A_379, %add3A_392 : vector<16x256xf32>
      %add3A_394 = arith.addf %slice3A_389, %mul3A_393 : vector<16x256xf32>
      %tanh3A_395 = math.tanh %add3A_394 : vector<16x256xf32>
      %sub3A_396 = arith.subf %add3A_358, %tanh3A_395 : vector<16x256xf32>
      %mul3A_397 = arith.mulf %logistic3A_388, %sub3A_396 : vector<16x256xf32>
      %add3A_398 = arith.addf %tanh3A_395, %mul3A_397 : vector<16x256xf32>
      %mul3A_399 = arith.constant 128 : i32
      %mul3A_400 = arith.muli %arg0, %mul3A_399 : i32
      %add3A_401 = arith.addi %mul3A_400, %add3A_362 : i32
      %lt3A_402 = vector.broadcast %add3A_401 : i32 to vector<16x256xi32>
      %lt3A_403 = arith.cmpi slt, %lt3A_402, %get3A_22 : vector<16x256xi32>
      %convert_element_type3A_404 = arith.extui %lt3A_403 : vector<16x256xi1> to vector<16x256xi32>
      %convert_element_type3A_405 = arith.sitofp %convert_element_type3A_404 : vector<16x256xi32> to vector<16x256xf32>
      %mul3A_406 = arith.mulf %convert_element_type3A_405, %add3A_398 : vector<16x256xf32>
      %broadcast_in_dim3A_407 = vector.shape_cast %mul3A_406 : vector<16x256xf32> to vector<16x1x256xf32>
      %swap3A_408 = arith.constant 0 : index
      %swap3A_409 = arith.index_cast %add3A_362 : i32 to index
      %swap3A_410 = arith.constant 0 : index
      %swap3A_411 = vector.load %arg7[%swap3A_408, %swap3A_409, %swap3A_410] : memref<16x128x256xf32, #tpu.memory_space<vmem>>, vector<16x1x256xf32>
      tpu.vector_store %arg7[%swap3A_408, %swap3A_409, %swap3A_410], %broadcast_in_dim3A_407 {strides = array<i32>} : memref<16x128x256xf32, #tpu.memory_space<vmem>>, vector<16x1x256xf32>,
      %sub3A_412 = arith.subf %add3A_398, %add3A_358 : vector<16x256xf32>
      %mul3A_413 = arith.mulf %convert_element_type3A_405, %sub3A_412 : vector<16x256xf32>
      %add3A_414 = arith.addf %add3A_358, %mul3A_413 : vector<16x256xf32>
      %mul3A_415 = arith.constant 8 : i32
      %mul3A_416 = arith.muli %while3A_82, %mul3A_415 : i32
      %add3A_417 = arith.constant 6 : i32
      %add3A_418 = arith.addi %mul3A_416, %add3A_417 : i32
      %mul3A_419 = arith.constant 16 : i32
      %mul3A_420 = arith.muli %add3A_418, %mul3A_419 : i32
      %get3A_421 = arith.index_cast %mul3A_420 : i32 to index
      %get3A_422 = arith.constant 0 : index
      %get3A_423 = vector.load %arg9[%get3A_421, %get3A_422] : memref<2048x768xf32, #tpu.memory_space<vmem>>, vector<16x768xf32>
      %convert_element_type3A_424 = arith.truncf %add3A_414 : vector<16x256xf32> to vector<16x256xbf16>
      %dot_general3A_425 = arith.constant dense<0.000000e+00> : vector<16x768xf32>
      %dot_general3A_426 = tpu.matmul %convert_element_type3A_424, %get3A_16, %dot_general3A_425 {dimension_numbers = #tpu.dot_dimension_numbers<[1], [0], [0], [1], [0, 0, 1, 1], [], []>, transpose_lhs_hint = false} : vector<16x256xbf16>, vector<256x768xbf16>, vector<16x768xf32> -> vector<16x768xf32>
      %slice3A_427 = vector.extract_strided_slice %get3A_423 {offsets = [0, 0], sizes = [16, 256], strides = [1, 1]} : vector<16x768xf32> to vector<16x256xf32>
      %slice3A_428 = vector.extract_strided_slice %dot_general3A_426 {offsets = [0, 0], sizes = [16, 256], strides = [1, 1]} : vector<16x768xf32> to vector<16x256xf32>
      %add3A_429 = arith.addf %slice3A_427, %slice3A_428 : vector<16x256xf32>
      %logistic3A_430 = arith.negf %add3A_429 : vector<16x256xf32>
      %logistic3A_431 = math.exp %logistic3A_430 : vector<16x256xf32>
      %logistic3A_432 = arith.constant 1.000000e+00 : f32
      %logistic3A_433 = vector.broadcast %logistic3A_432 : f32 to vector<16x256xf32>
      %logistic3A_434 = arith.addf %logistic3A_433, %logistic3A_431 : vector<16x256xf32>
      %logistic3A_435 = arith.divf %logistic3A_433, %logistic3A_434 : vector<16x256xf32>
      %slice3A_436 = vector.extract_strided_slice %get3A_423 {offsets = [0, 256], sizes = [16, 256], strides = [1, 1]} : vector<16x768xf32> to vector<16x256xf32>
      %slice3A_437 = vector.extract_strided_slice %dot_general3A_426 {offsets = [0, 256], sizes = [16, 256], strides = [1, 1]} : vector<16x768xf32> to vector<16x256xf32>
      %add3A_438 = arith.addf %slice3A_436, %slice3A_437 : vector<16x256xf32>
      %logistic3A_439 = arith.negf %add3A_438 : vector<16x256xf32>
      %logistic3A_440 = math.exp %logistic3A_439 : vector<16x256xf32>
      %logistic3A_441 = arith.constant 1.000000e+00 : f32
      %logistic3A_442 = vector.broadcast %logistic3A_441 : f32 to vector<16x256xf32>
      %logistic3A_443 = arith.addf %logistic3A_442, %logistic3A_440 : vector<16x256xf32>
      %logistic3A_444 = arith.divf %logistic3A_442, %logistic3A_443 : vector<16x256xf32>
      %slice3A_445 = vector.extract_strided_slice %get3A_423 {offsets = [0, 512], sizes = [16, 256], strides = [1, 1]} : vector<16x768xf32> to vector<16x256xf32>
      %slice3A_446 = vector.extract_strided_slice %dot_general3A_426 {offsets = [0, 512], sizes = [16, 256], strides = [1, 1]} : vector<16x768xf32> to vector<16x256xf32>
      %add3A_447 = vector.broadcast %get3A_19 : vector<1x256xf32> to vector<16x256xf32>
      %add3A_448 = arith.addf %slice3A_446, %add3A_447 : vector<16x256xf32>
      %mul3A_449 = arith.mulf %logistic3A_435, %add3A_448 : vector<16x256xf32>
      %add3A_450 = arith.addf %slice3A_445, %mul3A_449 : vector<16x256xf32>
      %tanh3A_451 = math.tanh %add3A_450 : vector<16x256xf32>
      %sub3A_452 = arith.subf %add3A_414, %tanh3A_451 : vector<16x256xf32>
      %mul3A_453 = arith.mulf %logistic3A_444, %sub3A_452 : vector<16x256xf32>
      %add3A_454 = arith.addf %tanh3A_451, %mul3A_453 : vector<16x256xf32>
      %mul3A_455 = arith.constant 128 : i32
      %mul3A_456 = arith.muli %arg0, %mul3A_455 : i32
      %add3A_457 = arith.addi %mul3A_456, %add3A_418 : i32
      %lt3A_458 = vector.broadcast %add3A_457 : i32 to vector<16x256xi32>
      %lt3A_459 = arith.cmpi slt, %lt3A_458, %get3A_22 : vector<16x256xi32>
      %convert_element_type3A_460 = arith.extui %lt3A_459 : vector<16x256xi1> to vector<16x256xi32>
      %convert_element_type3A_461 = arith.sitofp %convert_element_type3A_460 : vector<16x256xi32> to vector<16x256xf32>
      %mul3A_462 = arith.mulf %convert_element_type3A_461, %add3A_454 : vector<16x256xf32>
      %broadcast_in_dim3A_463 = vector.shape_cast %mul3A_462 : vector<16x256xf32> to vector<16x1x256xf32>
      %swap3A_464 = arith.constant 0 : index
      %swap3A_465 = arith.index_cast %add3A_418 : i32 to index
      %swap3A_466 = arith.constant 0 : index
      %swap3A_467 = vector.load %arg7[%swap3A_464, %swap3A_465, %swap3A_466] : memref<16x128x256xf32, #tpu.memory_space<vmem>>, vector<16x1x256xf32>
      tpu.vector_store %arg7[%swap3A_464, %swap3A_465, %swap3A_466], %broadcast_in_dim3A_463 {strides = array<i32>} : memref<16x128x256xf32, #tpu.memory_space<vmem>>, vector<16x1x256xf32>,
      %sub3A_468 = arith.subf %add3A_454, %add3A_414 : vector<16x256xf32>
      %mul3A_469 = arith.mulf %convert_element_type3A_461, %sub3A_468 : vector<16x256xf32>
      %add3A_470 = arith.addf %add3A_414, %mul3A_469 : vector<16x256xf32>
      %mul3A_471 = arith.constant 8 : i32
      %mul3A_472 = arith.muli %while3A_82, %mul3A_471 : i32
      %add3A_473 = arith.constant 7 : i32
      %add3A_474 = arith.addi %mul3A_472, %add3A_473 : i32
      %mul3A_475 = arith.constant 16 : i32
      %mul3A_476 = arith.muli %add3A_474, %mul3A_475 : i32
      %get3A_477 = arith.index_cast %mul3A_476 : i32 to index
      %get3A_478 = arith.constant 0 : index
      %get3A_479 = vector.load %arg9[%get3A_477, %get3A_478] : memref<2048x768xf32, #tpu.memory_space<vmem>>, vector<16x768xf32>
      %convert_element_type3A_480 = arith.truncf %add3A_470 : vector<16x256xf32> to vector<16x256xbf16>
      %dot_general3A_481 = arith.constant dense<0.000000e+00> : vector<16x768xf32>
      %dot_general3A_482 = tpu.matmul %convert_element_type3A_480, %get3A_16, %dot_general3A_481 {dimension_numbers = #tpu.dot_dimension_numbers<[1], [0], [0], [1], [0, 0, 1, 1], [], []>, transpose_lhs_hint = false} : vector<16x256xbf16>, vector<256x768xbf16>, vector<16x768xf32> -> vector<16x768xf32>
      %slice3A_483 = vector.extract_strided_slice %get3A_479 {offsets = [0, 0], sizes = [16, 256], strides = [1, 1]} : vector<16x768xf32> to vector<16x256xf32>
      %slice3A_484 = vector.extract_strided_slice %dot_general3A_482 {offsets = [0, 0], sizes = [16, 256], strides = [1, 1]} : vector<16x768xf32> to vector<16x256xf32>
      %add3A_485 = arith.addf %slice3A_483, %slice3A_484 : vector<16x256xf32>
      %logistic3A_486 = arith.negf %add3A_485 : vector<16x256xf32>
      %logistic3A_487 = math.exp %logistic3A_486 : vector<16x256xf32>
      %logistic3A_488 = arith.constant 1.000000e+00 : f32
      %logistic3A_489 = vector.broadcast %logistic3A_488 : f32 to vector<16x256xf32>
      %logistic3A_490 = arith.addf %logistic3A_489, %logistic3A_487 : vector<16x256xf32>
      %logistic3A_491 = arith.divf %logistic3A_489, %logistic3A_490 : vector<16x256xf32>
      %slice3A_492 = vector.extract_strided_slice %get3A_479 {offsets = [0, 256], sizes = [16, 256], strides = [1, 1]} : vector<16x768xf32> to vector<16x256xf32>
      %slice3A_493 = vector.extract_strided_slice %dot_general3A_482 {offsets = [0, 256], sizes = [16, 256], strides = [1, 1]} : vector<16x768xf32> to vector<16x256xf32>
      %add3A_494 = arith.addf %slice3A_492, %slice3A_493 : vector<16x256xf32>
      %logistic3A_495 = arith.negf %add3A_494 : vector<16x256xf32>
      %logistic3A_496 = math.exp %logistic3A_495 : vector<16x256xf32>
      %logistic3A_497 = arith.constant 1.000000e+00 : f32
      %logistic3A_498 = vector.broadcast %logistic3A_497 : f32 to vector<16x256xf32>
      %logistic3A_499 = arith.addf %logistic3A_498, %logistic3A_496 : vector<16x256xf32>
      %logistic3A_500 = arith.divf %logistic3A_498, %logistic3A_499 : vector<16x256xf32>
      %slice3A_501 = vector.extract_strided_slice %get3A_479 {offsets = [0, 512], sizes = [16, 256], strides = [1, 1]} : vector<16x768xf32> to vector<16x256xf32>
      %slice3A_502 = vector.extract_strided_slice %dot_general3A_482 {offsets = [0, 512], sizes = [16, 256], strides = [1, 1]} : vector<16x768xf32> to vector<16x256xf32>
      %add3A_503 = vector.broadcast %get3A_19 : vector<1x256xf32> to vector<16x256xf32>
      %add3A_504 = arith.addf %slice3A_502, %add3A_503 : vector<16x256xf32>
      %mul3A_505 = arith.mulf %logistic3A_491, %add3A_504 : vector<16x256xf32>
      %add3A_506 = arith.addf %slice3A_501, %mul3A_505 : vector<16x256xf32>
      %tanh3A_507 = math.tanh %add3A_506 : vector<16x256xf32>
      %sub3A_508 = arith.subf %add3A_470, %tanh3A_507 : vector<16x256xf32>
      %mul3A_509 = arith.mulf %logistic3A_500, %sub3A_508 : vector<16x256xf32>
      %add3A_510 = arith.addf %tanh3A_507, %mul3A_509 : vector<16x256xf32>
      %mul3A_511 = arith.constant 128 : i32
      %mul3A_512 = arith.muli %arg0, %mul3A_511 : i32
      %add3A_513 = arith.addi %mul3A_512, %add3A_474 : i32
      %lt3A_514 = vector.broadcast %add3A_513 : i32 to vector<16x256xi32>
      %lt3A_515 = arith.cmpi slt, %lt3A_514, %get3A_22 : vector<16x256xi32>
      %convert_element_type3A_516 = arith.extui %lt3A_515 : vector<16x256xi1> to vector<16x256xi32>
      %convert_element_type3A_517 = arith.sitofp %convert_element_type3A_516 : vector<16x256xi32> to vector<16x256xf32>
      %mul3A_518 = arith.mulf %convert_element_type3A_517, %add3A_510 : vector<16x256xf32>
      %broadcast_in_dim3A_519 = vector.shape_cast %mul3A_518 : vector<16x256xf32> to vector<16x1x256xf32>
      %swap3A_520 = arith.constant 0 : index
      %swap3A_521 = arith.index_cast %add3A_474 : i32 to index
      %swap3A_522 = arith.constant 0 : index
      %swap3A_523 = vector.load %arg7[%swap3A_520, %swap3A_521, %swap3A_522] : memref<16x128x256xf32, #tpu.memory_space<vmem>>, vector<16x1x256xf32>
      tpu.vector_store %arg7[%swap3A_520, %swap3A_521, %swap3A_522], %broadcast_in_dim3A_519 {strides = array<i32>} : memref<16x128x256xf32, #tpu.memory_space<vmem>>, vector<16x1x256xf32>,
      %sub3A_524 = arith.subf %add3A_510, %add3A_470 : vector<16x256xf32>
      %mul3A_525 = arith.mulf %convert_element_type3A_517, %sub3A_524 : vector<16x256xf32>
      %add3A_526 = arith.addf %add3A_470, %mul3A_525 : vector<16x256xf32>
      scf.yield %add3A_526 : vector<16x256xf32>
    }
    %mul3A_62 = arith.constant 8 : i32
    %mul3A_63 = arith.muli %select_n3A, %mul3A_62 : i32
    %while3A_64 = arith.constant 128 : i32
    %while3A_65 = arith.constant 0 : i32
    %while3A_66 = arith.subi %while3A_64, %mul3A_63 : i32
    %while3A_67 = arith.addi %mul3A_63, %while3A_66 : i32
    %while3A_68 = arith.constant 1 : i32
    %while3A_69 = arith.divsi %while3A_66, %while3A_68 : i32
    %while3A_70 = arith.muli %while3A_69, %while3A_68 : i32
    %while3A_71 = arith.addi %mul3A_63, %while3A_70 : i32
    %while3A_72 = arith.constant 1 : i32
    %while3A_73 = scf.for %while3A_82 = %mul3A_63 to %while3A_71 step %while3A_72 iter_args(%while3A_83 = %while3A_65) -> (i32)  : i32 {
      %broadcast_in_dim3A = arith.constant 0.000000e+00 : f32
      %broadcast_in_dim3A_84 = vector.broadcast %broadcast_in_dim3A : f32 to vector<16x1x256xf32>
      %swap3A_85 = arith.constant 0 : index
      %swap3A_86 = arith.index_cast %while3A_82 : i32 to index
      %swap3A_87 = arith.constant 0 : index
      %swap3A_88 = vector.load %arg7[%swap3A_85, %swap3A_86, %swap3A_87] : memref<16x128x256xf32, #tpu.memory_space<vmem>>, vector<16x1x256xf32>
      tpu.vector_store %arg7[%swap3A_85, %swap3A_86, %swap3A_87], %broadcast_in_dim3A_84 {strides = array<i32>} : memref<16x128x256xf32, #tpu.memory_space<vmem>>, vector<16x1x256xf32>,
      %while3A_89 = arith.constant 0 : i32
      scf.yield %while3A_89 : i32
    }
    %while3A_74 = arith.constant 1 : i32
    %while3A_75 = scf.for %while3A_82 = %while3A_71 to %while3A_67 step %while3A_74 iter_args(%while3A_83 = %while3A_73) -> (i32)  : i32 {
      %broadcast_in_dim3A = arith.constant 0.000000e+00 : f32
      %broadcast_in_dim3A_84 = vector.broadcast %broadcast_in_dim3A : f32 to vector<16x1x256xf32>
      %swap3A_85 = arith.constant 0 : index
      %swap3A_86 = arith.index_cast %while3A_82 : i32 to index
      %swap3A_87 = arith.constant 0 : index
      %swap3A_88 = vector.load %arg7[%swap3A_85, %swap3A_86, %swap3A_87] : memref<16x128x256xf32, #tpu.memory_space<vmem>>, vector<16x1x256xf32>
      tpu.vector_store %arg7[%swap3A_85, %swap3A_86, %swap3A_87], %broadcast_in_dim3A_84 {strides = array<i32>} : memref<16x128x256xf32, #tpu.memory_space<vmem>>, vector<16x1x256xf32>,
      %while3A_89 = arith.constant 0 : i32
      scf.yield %while3A_89 : i32
    }
    %swap3A_76 = arith.constant 0 : index
    %swap3A_77 = arith.constant 0 : index
    %swap3A_78 = vector.load %arg10[%swap3A_76, %swap3A_77] : memref<16x256xf32, #tpu.memory_space<vmem>>, vector<16x256xf32>
    tpu.vector_store %arg10[%swap3A_76, %swap3A_77], %while3A_61 {strides = array<i32>} : memref<16x256xf32, #tpu.memory_space<vmem>>, vector<16x256xf32>,
    %swap3A_79 = arith.constant 0 : index
    %swap3A_80 = arith.constant 0 : index
    %swap3A_81 = vector.load %arg8[%swap3A_79, %swap3A_80] : memref<16x256xf32, #tpu.memory_space<vmem>>, vector<16x256xf32>
    tpu.vector_store %arg8[%swap3A_79, %swap3A_80], %while3A_61 {strides = array<i32>} : memref<16x256xf32, #tpu.memory_space<vmem>>, vector<16x256xf32>,
    return
  }
  func.func @transform_0(%arg0: i32) -> (i32, i32) {
    %c0_i32 = arith.constant 0 : i32
    %c0_i32_0 = arith.constant 0 : i32
    %c0_i32_1 = arith.constant 0 : i32
    return %c0_i32, %c0_i32_0 : i32, i32
  }
  func.func @transform_1(%arg0: i32) -> (i32, i32) {
    %c0_i32 = arith.constant 0 : i32
    %c0_i32_0 = arith.constant 0 : i32
    return %arg0, %c0_i32 : i32, i32
  }
  func.func @transform_2(%arg0: i32) -> (i32, i32) {
    %c0_i32 = arith.constant 0 : i32
    %c0_i32_0 = arith.constant 0 : i32
    %c0_i32_1 = arith.constant 0 : i32
    return %c0_i32, %c0_i32_0 : i32, i32
  }
  func.func @transform_3(%arg0: i32) -> (i32, i32) {
    %c0_i32 = arith.constant 0 : i32
    %c0_i32_0 = arith.constant 0 : i32
    %c0_i32_1 = arith.constant 0 : i32
    return %c0_i32, %c0_i32_0 : i32, i32
  }
  func.func @transform_4(%arg0: i32) -> (i32, i32) {
    %c0_i32 = arith.constant 0 : i32
    %c0_i32_0 = arith.constant 0 : i32
    %c0_i32_1 = arith.constant 0 : i32
    return %c0_i32, %c0_i32_0 : i32, i32
  }
  func.func @transform_5(%arg0: i32) -> (i32, i32) {
    %c0_i32 = arith.constant 0 : i32
    %c0_i32_0 = arith.constant 0 : i32
    %c0_i32_1 = arith.constant 0 : i32
    return %c0_i32, %c0_i32_0 : i32, i32
  }
  func.func @transform_6(%arg0: i32) -> (i32, i32, i32) {
    %c0_i32 = arith.constant 0 : i32
    %c0_i32_0 = arith.constant 0 : i32
    %c0_i32_1 = arith.constant 0 : i32
    return %c0_i32, %arg0, %c0_i32_0 : i32, i32, i32
  }
  func.func @transform_7(%arg0: i32) -> (i32, i32) {
    %c0_i32 = arith.constant 0 : i32
    %c0_i32_0 = arith.constant 0 : i32
    %c0_i32_1 = arith.constant 0 : i32
    return %c0_i32, %c0_i32_0 : i32, i32
  }
}

</mosaic_0001>

<sc_bundles>
// kernel: kernel.4.cloned.1.call-start
scs
__scs_entry_jumppad:
0x0: {  	(pc) =	sbr.rel $0x88, $3  }
0x1: {  	(tag) =	ssettag $0x0;
	lr =	simm.s32 $0x1  }
0x2: {  	[smem:$0x3F9A] =	sst lr;
	_ =	strace $0xD0000000  }
0x3: {  	_ = 	snop  }
0x4: {  	_ = 	snop  }
0x5: {  	_ = 	snop  }
0x6: {  	_ = 	snop  }
0x7: {  	_ = 	snop  }
__scs_overlays_trampoline_lowered:
0x8: {  	[smem:$0x3FA9] =	sst s0  }
0x9: {  	[smem:$0x3FAA] =	sst s1  }
0xa: {  	[smem:$0x3FAB] =	sst s2  }
0xb: {  	[smem:$0x3FAC] =	sst s3  }
0xc: {  	[smem:$0x3FAD] =	sst s4  }
0xd: {  	[smem:$0x3FAE] =	sst s5  }
0xe: {  	[smem:$0x3FAF] =	sst s6  }
0xf: {  	[smem:$0x3FB0] =	sst s7  }
0x10: {  	[smem:$0x3FB1] =	sst s8  }
0x11: {  	[smem:$0x3FB2] =	sst s9;
	s0 =	simm.s32 @!p0 $0x0  }
0x12: {  	s1 =	sld [smem:$0x3F98];
	s0 =	simm.s32 @p0 $0x1  }
0x13: {  	[smem:$0x3FB3] =	sst s0;
	s0 =	simm.s32 @!p1 $0x0  }
0x14: {  	s2 =	sld [smem:$0x3F97];
	s0 =	simm.s32 @p1 $0x1  }
0x15: {  	[smem:$0x3FB4] =	sst s0;
	s0 =	simm.s32 @!p2 $0x0  }
0x16: {  	s3 =	sld [smem:$0x3FDB];
	s0 =	simm.s32 @p2 $0x1  }
0x17: {  	s4 =	simm.s32 $0x1BF5;
	[smem:$0x3FB6] =	sst s0  }
0x18: {  	s0 =	sld [smem:$0x3F99];
	_ =	swait.ge [sflag:s4], $0x0  }
0x19: {  	s7 =	sld [smem:$0x3F9A]  }
0x1a: {  	s8 =	sadd.s32 $0xFFFFE003, lr  }
0x1b: {  	s9 =	sadd.s32 $0xFFFFFEF7, lr;
	s5 =	simm.s32 $0xFFFFFFFF;
	p2 =	slt.u32 s8, $0xFFFFF086  }
0x1c: {  	p1 =	slt.u32 s9, $0xF7A;
	s5 =	simm.s32 @!p2 $0x0  }
0x1d: {  	s5 =	simm.s32 @p1 $0x1;
	p0 =	seq.s32 s7, s2  }
0x1e: {  	s7 =	smul.u32 @!p0 $0xF7A, s2;
	p2 =	seq.s32 @!p0 s5, $0x0  }
0x1f: {  	s9 =	smul.u32 $0xF7A, s1;
	s8 =	simm.s32 @!p0 $0x1BF5;
	p2 =	por !p2, p0  }
0x20: {  	[sflag:s8] =	ssyncset.s32 @!p0 $0xFFFFF086;
	s6 =	sadd.s32 @!p0 s3, s7;
	s7 =	simm.s32 @!p0 $0x108  }
0x21: {  	s3 =	sadd.s32 s3, s9;
	s6 =	sadd.s32 @!p0 $0x88, s6;
	s7 =	simm.s32 @p2 $0x1082  }
0x22: {  	[simem:s7], [sflag:s8] =	dma.local @!p0 [hbm:s6], $0xF7A  }
0x23: {  	s9 =	sor.u32 $0xD0000000, s2;
	s6 =	simm.s32 $0x108;
	_ =	swait.ge @!p0 [sflag:s8], $0x0  }
0x24: {  	s3 =	sadd.s32 $0x88, s3;
	s6 =	simm.s32 @!p1 $0x1082;
	[sflag:s4] =	ssyncset.s32 $0xFFFFF086  }
0x25: {  	[simem:s6], [sflag:s4] =	dma.local [hbm:s3], $0xF7A  }
0x26: {  	[smem:$0x3F9A] =	sst s1;
	(tag) =	ssettag s2;
	_ =	strace s9  }
0x27: {  	s1 =	sld [smem:$0x3FAA]  }
0x28: {  	s2 =	sld [smem:$0x3FAB]  }
0x29: {  	s4 =	sld [smem:$0x3FAD]  }
0x2a: {  	p0 =	seq.s32 s5, $0x0;
	s5 =	sld [smem:$0x3FAE]  }
0x2b: {  	s6 =	sld [smem:$0x3FAF]  }
0x2c: {  	s7 =	sld [smem:$0x3FB0]  }
0x2d: {  	s3 =	simm.s32 $0x108;
	s8 =	sld [smem:$0x3FB1]  }
0x2e: {  	s3 =	simm.s32 @!p0 $0x1082;
	s9 =	sld [smem:$0x3FB2]  }
0x2f: {  	lr =	sadd.s32 s0, s3;
	s0 =	sld [smem:$0x3FA9]  }
0x30: {  	s3 =	sld [smem:$0x3FAC]  }
0x31: {  	[smem:$0x3FB5] =	sst s10  }
0x32: {  	s10 =	sld [smem:$0x3FB3];
	_ =	sdelay $0x3  }
0x33: {  	p0 =	seq.s32 s10, $0x1;
	s10 =	sld [smem:$0x3FB5];
	_ =	sdelay $0x3  }
0x34: {  	[smem:$0x3FB5] =	sst s10  }
0x35: {  	s10 =	sld [smem:$0x3FB4];
	_ =	sdelay $0x3  }
0x36: {  	p1 =	seq.s32 s10, $0x1;
	s10 =	sld [smem:$0x3FB5];
	_ =	sdelay $0x3  }
0x37: {  	[smem:$0x3FB5] =	sst s10  }
0x38: {  	s10 =	sld [smem:$0x3FB6]  }
0x39: {  	_ = 	snop;
	(pc) =	sbr.ind lr, $3  }
0x3a: {  	_ = 	snop  }
0x3b: {  	_ = 	snop  }
0x3c: {  	p2 =	seq.s32 s10, $0x1;
	s10 =	sld [smem:$0x3FB5]  }
0x3d: {  	_ =	shalt  }
0x3e: {  	_ =	shalt  }
0x3f: {  	_ =	shalt  }
0x40: {  	_ =	shalt  }
0x41: {  	_ =	shalt  }
0x42: {  	_ =	shalt  }
0x43: {  	_ =	shalt  }
0x44: {  	_ =	shalt  }
0x45: {  	_ =	shalt  }
0x46: {  	_ =	shalt  }
0x47: {  	_ =	shalt  }
0x48: {  	_ =	shalt  }
0x49: {  	_ =	shalt  }
0x4a: {  	_ =	shalt  }
0x4b: {  	_ =	shalt  }
0x4c: {  	_ =	shalt  }
0x4d: {  	_ =	shalt  }
0x4e: {  	_ =	shalt  }
0x4f: {  	_ =	shalt  }
0x50: {  	_ =	shalt  }
0x51: {  	_ =	shalt  }
0x52: {  	_ =	shalt  }
0x53: {  	_ =	shalt  }
0x54: {  	_ =	shalt  }
0x55: {  	_ =	shalt  }
0x56: {  	_ =	shalt  }
0x57: {  	_ =	shalt  }
0x58: {  	_ =	shalt  }
0x59: {  	_ =	shalt  }
0x5a: {  	_ =	shalt  }
0x5b: {  	_ =	shalt  }
0x5c: {  	_ =	shalt  }
0x5d: {  	_ =	shalt  }
0x5e: {  	_ =	shalt  }
0x5f: {  	_ =	shalt  }
0x60: {  	_ =	shalt  }
0x61: {  	_ =	shalt  }
0x62: {  	_ =	shalt  }
0x63: {  	_ =	shalt  }
0x64: {  	_ =	shalt  }
0x65: {  	_ =	shalt  }
0x66: {  	_ =	shalt  }
0x67: {  	_ =	shalt  }
0x68: {  	_ =	shalt  }
0x69: {  	_ =	shalt  }
0x6a: {  	_ =	shalt  }
0x6b: {  	_ =	shalt  }
0x6c: {  	_ =	shalt  }
0x6d: {  	_ =	shalt  }
0x6e: {  	_ =	shalt  }
0x6f: {  	_ =	shalt  }
0x70: {  	_ =	shalt  }
0x71: {  	_ =	shalt  }
0x72: {  	_ =	shalt  }
0x73: {  	_ =	shalt  }
0x74: {  	_ =	shalt  }
0x75: {  	_ =	shalt  }
0x76: {  	_ =	shalt  }
0x77: {  	_ =	shalt  }
0x78: {  	_ =	shalt  }
0x79: {  	_ =	shalt  }
0x7a: {  	_ =	shalt  }
0x7b: {  	_ =	shalt  }
0x7c: {  	_ =	shalt  }
0x7d: {  	_ =	shalt  }
0x7e: {  	_ =	shalt  }
0x7f: {  	_ =	shalt  }
0x80: {  	_ =	shalt  }
0x81: {  	_ =	shalt  }
0x82: {  	_ =	shalt  }
0x83: {  	_ =	shalt  }
0x84: {  	_ =	shalt  }
0x85: {  	_ =	shalt  }
0x86: {  	_ =	shalt  }
0x87: {  	_ =	shalt  }
.Lfunc_end0:
.L_simem_size_0:
called_computation_lowered:
.L_overlay_start_0:
0x88: {  	s2 =	sld [smem:$0x3FD9]  }
0x89: {  	s3 =	sld [smem:$0x3FFE];
	_ =	sdelay $0x1  }
0x8a: {  	s1 =	srdreg.scid  }
0x8b: {  	s0 =	sand.u32 $0x1, s1  }
0x8c: {  	s14 =	sshll.u32 s0, $0xA;
	s2 =	sadd.s32 s3, s2  }
0x8d: {  	s2 =	sadd.s32 s2, s14  }
0x8e: {  	[smem:$0x3FC1] =	sst s2  }
0x8f: {  	_ = 	snop  }
0x90: {  	s2 =	sld [smem:$0x3FD0];
	_ =	sdelay $0x2  }
0x91: {  	s4 =	simm.s32 $0xA;
	s5 =	simm.s32 $0x10;
	s15 =	sld [smem:$0x3FC7]  }
0x92: {  	[smem:s5], [sflag:s4] =	dma.local [hbm:s2], $0x1  }
0x93: {  	_ =	swait.eq [sflag:s4], $0x1  }
0x94: {  	[sflag:s4] =	ssyncset.done $0x0  }
0x95: {  	[sflag:s4] =	ssyncadd.s32 $0xFFFFFFFF  }
0x96: {  	s16 =	sld [smem:$0x10];
	(tm) =	ssettm $0x1  }
0x97: {  	s17 =	sld [smem:$0x3FFB];
	_ =	sdelay $0x3  }
0x98: {  	_ =	strace s17  }
0x99: {  	s4 =	sld [smem:$0x3FFC];
	_ =	sdelay $0x3  }
0x9a: {  	_ =	strace s4  }
0x9b: {  	s4 =	sld [smem:$0x3FFD];
	_ =	sdelay $0x3  }
0x9c: {  	_ =	strace s4  }
0x9d: {  	_ =	strace $0x8FFFFFFF  }
0x9e: {  	s18 =	sld [smem:$0x3FDB];
	_ =	sdelay $0x1  }
0x9f: {  	s19 =	simm.s32 $_scs_section_size  }
0xa0: {  	s6 =	simm.s32 $_size__tile_overlayer_lowered;
	s7 =	simm.s32 $_tile_overlayer_lowered  }
0xa1: {  	s22 =	simm.s32 $0x1BFF;
	s21 =	sshll.u32 s7, $0x1;
	s4 =	sadd.s32 s19, s18  }
0xa2: {  	s8 =	simm.s32 $0x0;
	s20 =	sshll.u32 s6, $0x1;
	s6 =	sadd.s32 s21, s4  }
0xa3: {  	[timem:s8], [sflag:s22] =	dma.local [hbm:s6], s20  }
0xa4: {  	_ =	swait.ge [sflag:s22], s20  }
0xa5: {  	s5 =	ssub.s32 $0x0, s20;
	[sflag:s22] =	ssyncset.done $0x0  }
0xa6: {  	[sflag:s22] =	ssyncadd.s32 s5;
	_ =	sdelay $0x1  }
0xa7: {  	s23 =	simm.s32 $0x1B8B  }
0xa8: {  	_ =	swait.ge [sflag:s23], $0x1  }
0xa9: {  	[sflag:s23] =	ssyncset.done $0x0  }
0xaa: {  	s25 =	simm.s32 $0x1B8E;
	s24 =	sld [smem:$0x3FFE];
	[sflag:s23] =	ssyncadd.s32 $0xFFFFFFFF  }
0xab: {  	s26 =	simm.s32 $execute0_lowered;
	[smem:$0x3FD2] =	sst s25  }
0xac: {  	s6 =	sshll.u32 s26, $0x1;
	_ =	strace $0x80000046;
	[dreg:$0x1] =	wrdreg $0xFFFFFFFF  }
0xad: {  	s28 =	simm.s32 $_size_execute0_lowered;
	s4 =	sadd.s32 s4, s6;
	[dreg:$0x0] =	wrdreg $0x0  }
0xae: {  	s6 =	sshll.u32 s28, $0x1;
	[dreg:$0x2] =	wrdreg s4  }
0xaf: {  	[dreg:$0x3] =	wrdreg s6  }
0xb0: {  	[dreg:$0x4] =	wrdreg $0xC0  }
0xb1: {  	_ =	task [dreg:s8], $0x5FFFF  }
0xb2: {  	[dreg:$0x1] =	wrdreg $0xFFFFFFFF  }
0xb3: {  	[dreg:$0x0] =	wrdreg $0x60  }
0xb4: {  	[dreg:$0x2] =	wrdreg s15  }
0xb5: {  	[dreg:$0x3] =	wrdreg s24  }
0xb6: {  	[dreg:$0x4] =	wrdreg s16  }
0xb7: {  	[dreg:$0x5] =	wrdreg $0x9  }
0xb8: {  	_ =	task.clear_ibuf [dreg:s8], $0x6FFFF;
	_ =	strace $0x90000046  }
0xb9: {  	s29 =	simm.s32 $0x9;
	_ =	strace $0x80000048  }
0xba: {  	_ =	swait.ge [sflag:s29], $0x1  }
0xbb: {  	[sflag:s29] =	ssyncadd.s32 $0xFFFFFFFF  }
0xbc: {  	_ =	strace $0x90000048  }
0xbd: {  	_ =	sfence  }
0xbe: {  	s30 =	sld [smem:$0x0];
	_ =	sdelay $0x2  }
0xbf: {  	s31 =	sshll.u32 s1, $0xD;
	s1 =	sshrl.u32 s1, $0x2  }
0xc0: {  	s3 =	sand.u32 $0x4000, s31;
	s1 =	sadd.s32 s1, s30  }
0xc1: {  	s0 =	sor.u32 s3, s0;
	s1 =	sshll.u32 s1, $0x11  }
0xc2: {  	s0 =	sor.u32 s1, s0  }
0xc3: {  	s0 =	sadd.s32 $0x8F2B, s0  }
0xc4: {  	[sflag:s0] =	ssyncadd.remote.s32 $0x1  }
0xc5: {  	_ =	sfence.sel $0xFFFF  }
0xc6: {  	[dreg:$0x0] =	wrdreg $0xFFFFFFFF;
	(pc) =	sbr.abs _section_cstart, $3  }
0xc7: {  	[dreg:$0x1] =	wrdreg $0xFFFFFFFF  }
0xc8: {  	_ =	task.clear_ibuf [dreg:s8], $0x2FFFF;
	_ =	strace $0x9FFFFFFF  }
0xc9: {  	(tm) =	ssettm $0x7FFFFFFF  }
tec
execute0_lowered:
.L_overlay_start_1:
0x0: {  	(tag) =	ssettag $0x1  }
0x1: {  	s1 =	rddreg [dreg:$0x0]  }
0x2: {  	s2 =	srdreg.scid;
	s4 =	rddreg [dreg:$0x1]  }
0x3: {  	s0 =	stileid.u32;
	s6 =	rddreg [dreg:$0x2];
	s19 =	simm.s32 $0x900  }
0x4: {  	s20 =	simm.s32 $0x1100;
	s21 =	simm.s32 $0x1900;
	s23 =	simm.s32 $0x2100  }
0x5: {  	s24 =	simm.s32 $0x2900;
	s25 =	simm.s32 $0x3100;
	s26 =	simm.s32 $0x3900  }
0x6: {  	s8 =	simm.s32 $0x4900;
	s9 =	simm.s32 $0x5100;
	s10 =	simm.s32 $0x5900  }
0x7: {  	s11 =	simm.s32 $0x6100;
	s12 =	simm.s32 $0x6900;
	s13 =	simm.s32 $0x7100  }
0x8: {  	s14 =	simm.s32 $0x7900;
	s15 =	simm.s32 $0x8100;
	s2 =	sand.u32 $0x1, s2  }
0x9: {  	s16 =	simm.s32 $0x8900;
	s3 =	sshll.u32 s0, $0x9;
	s5 =	sshll.u32 s2, $0x8  }
0xa: {  	s17 =	simm.s32 $0x9100;
	s5 =	sor.u32 s5, s3;
	s3 =	simm.s32 $0x0  }
0xb: {  	s28 =	simm.s32 $0xE100;
	s29 =	simm.s32 $0xE900;
	[smem:$0x7FF] =	sst s3  }
0xc: {  	s30 =	simm.s32 $0xF100;
	_ =	strace $0x80000047;
	[dreg:$0x6] =	wrdreg s19  }
0xd: {  	s31 =	simm.s32 $0xF900;
	s2 =	ssub.s32 $0x2, s2;
	[dreg:$0x7] =	wrdreg s20  }
0xe: {  	s22 =	sshrl.u32 s2, $0x1;
	s7 =	sshrl.u32 s5, $0x3;
	[dreg:$0x8] =	wrdreg s21  }
0xf: {  	s5 =	sshll.u32 s5, $0x5;
	s2 =	ssub.s32 s2, s22;
	[dreg:$0x9] =	wrdreg s23  }
0x10: {  	s22 =	simm.s32 $0xB900;
	s4 =	sadd.s32 s7, s4;
	[dreg:$0xa] =	wrdreg s24  }
0x11: {  	s18 =	sadd.s32 s6, s5;
	s5 =	simm.s32 $0x2;
	[dreg:$0xb] =	wrdreg s25  }
0x12: {  	s6 =	simm.s32 $0x100;
	[dreg:$0xc] =	wrdreg s26;
	s19 =	simm.s32 $0xA100  }
0x13: {  	s20 =	simm.s32 $0xA900;
	s21 =	simm.s32 $0xB100;
	s23 =	simm.s32 $0xC100  }
0x14: {  	v2 =	vlaneseq.u32;
	s24 =	simm.s32 $0xC900;
	s25 =	simm.s32 $0xD100;
	s26 =	simm.s32 $0xD900  }
0x15: {  	vm0 =	vmmov $0xffff;
	v1 =	vshrl.u32 v2, $0x3;
	s4 =	sadd.s32 $0x1000, s4;
	[dreg:$0x5] =	wrdreg s18;
	s18 =	simm.s32 $0x9900  }
0x16: {  	v0 =	vand.u32 $0x7, v2;
	v2 =	vor.u32 $0x8, v2;
	v1 =	vmul.u32 $0x8, v1;
	[dreg:$0x4] =	wrdreg s4;
	s4 =	smax.u32 s2, $0x1;
	s2 =	simm.s32 $0x1  }
.LBB2_1:
0x17: {  	s0 =	rddreg [dreg:$0x4]  }
0x18: {  	[tilespmem:s3], [sflag:$0x2] =	stream.linear.gather [hbm4b:s0+s3], $0x100, $0x38;
	[tilespmem:$0x10100] =	vst v63  }
0x19: {  	_ =	swait.ge [sflag:s5], $0x100  }
0x1a: {  	[sflag:s5] =	ssyncset.done $0x0  }
0x1b: {  	[sflag:s5] =	ssyncadd.s32 $0xFFFFFF00  }
0x1c: {  	v3 =	vld [tilespmem:$0x0];
	_ =	sdelay $0x4  }
0x1d: {  	v4 =	vshll.u32 v3, $0x1  }
0x1e: {  	v3 =	vand.u32 $0x7, v3;
	v4 =	vand.u32 $0xFFFFFFF0, v4  }
0x1f: {  	v3 =	vor.u32 v3, v4  }
0x20: {  	v4 =	vperm.xlane v3, v0;
	_ =	sdelay $0x1  }
0x21: {  	v3 =	vperm.xlane v3, v2;
	v4 =	vadd.s32 v1, v4;
	_ =	sdelay $0x1  }
0x22: {  	v3 =	vadd.s32 v1, v3;
	_ =	sdelay $0x2  }
0x23: {  	[tilespmem:s6], [sflag:$0x1] =	stream.indirect_vreg.gather [hbm4b:s1+s3], $0x80, v4, vm0, $0xb8;
	[tilespmem:$0x10100] =	vst v63  }
0x24: {  	s7 =	rddreg [dreg:$0x6]  }
0x25: {  	[tilespmem:s7], [sflag:$0x1] =	stream.indirect_vreg.gather [hbm4b:s1+s3], $0x80, v3, vm0, $0xb8;
	[tilespmem:$0x10100] =	vst v63  }
0x26: {  	v3 =	vld [tilespmem:$0x10];
	_ =	sdelay $0x4  }
0x27: {  	v49 =	vshll.u32 v3, $0x1  }
0x28: {  	v3 =	vand.u32 $0x7, v3;
	v4 =	vand.u32 $0xFFFFFFF0, v49  }
0x29: {  	v3 =	vor.u32 v3, v4  }
0x2a: {  	v4 =	vperm.xlane v3, v0;
	_ =	sdelay $0x1  }
0x2b: {  	v3 =	vperm.xlane v3, v2;
	v4 =	vadd.s32 v1, v4;
	_ =	sdelay $0x1  }
0x2c: {  	v3 =	vadd.s32 v1, v3;
	_ =	sdelay $0x1  }
0x2d: {  	s0 =	rddreg [dreg:$0x7]  }
0x2e: {  	[tilespmem:s0], [sflag:$0x1] =	stream.indirect_vreg.gather [hbm4b:s1+s3], $0x80, v4, vm0, $0xb8;
	[tilespmem:$0x10100] =	vst v63  }
0x2f: {  	s7 =	rddreg [dreg:$0x8]  }
0x30: {  	[tilespmem:s7], [sflag:$0x1] =	stream.indirect_vreg.gather [hbm4b:s1+s3], $0x80, v3, vm0, $0xb8;
	[tilespmem:$0x10100] =	vst v63  }
0x31: {  	v3 =	vld [tilespmem:$0x20];
	_ =	sdelay $0x4  }
0x32: {  	v50 =	vshll.u32 v3, $0x1  }
0x33: {  	v3 =	vand.u32 $0x7, v3;
	v4 =	vand.u32 $0xFFFFFFF0, v50  }
0x34: {  	v3 =	vor.u32 v3, v4  }
0x35: {  	v4 =	vperm.xlane v3, v0;
	_ =	sdelay $0x1  }
0x36: {  	v3 =	vperm.xlane v3, v2;
	v4 =	vadd.s32 v1, v4;
	_ =	sdelay $0x1  }
0x37: {  	v3 =	vadd.s32 v1, v3;
	_ =	sdelay $0x1  }
0x38: {  	s0 =	rddreg [dreg:$0x9]  }
0x39: {  	[tilespmem:s0], [sflag:$0x1] =	stream.indirect_vreg.gather [hbm4b:s1+s3], $0x80, v4, vm0, $0xb8;
	[tilespmem:$0x10100] =	vst v63  }
0x3a: {  	s7 =	rddreg [dreg:$0xa]  }
0x3b: {  	[tilespmem:s7], [sflag:$0x1] =	stream.indirect_vreg.gather [hbm4b:s1+s3], $0x80, v3, vm0, $0xb8;
	[tilespmem:$0x10100] =	vst v63  }
0x3c: {  	v3 =	vld [tilespmem:$0x30];
	_ =	sdelay $0x4  }
0x3d: {  	v51 =	vshll.u32 v3, $0x1  }
0x3e: {  	v3 =	vand.u32 $0x7, v3;
	v4 =	vand.u32 $0xFFFFFFF0, v51  }
0x3f: {  	v3 =	vor.u32 v3, v4  }
0x40: {  	v4 =	vperm.xlane v3, v0;
	_ =	sdelay $0x1  }
0x41: {  	v3 =	vperm.xlane v3, v2;
	v4 =	vadd.s32 v1, v4;
	_ =	sdelay $0x1  }
0x42: {  	v3 =	vadd.s32 v1, v3;
	_ =	sdelay $0x1  }
0x43: {  	s0 =	rddreg [dreg:$0xb]  }
0x44: {  	[tilespmem:s0], [sflag:$0x1] =	stream.indirect_vreg.gather [hbm4b:s1+s3], $0x80, v4, vm0, $0xb8;
	[tilespmem:$0x10100] =	vst v63  }
0x45: {  	s7 =	rddreg [dreg:$0xc]  }
0x46: {  	[tilespmem:s7], [sflag:$0x1] =	stream.indirect_vreg.gather [hbm4b:s1+s3], $0x80, v3, vm0, $0xb8;
	[tilespmem:$0x10100] =	vst v63  }
0x47: {  	v3 =	vld [tilespmem:$0x40];
	_ =	sdelay $0x4  }
0x48: {  	v52 =	vshll.u32 v3, $0x1  }
0x49: {  	v3 =	vand.u32 $0x7, v3;
	v4 =	vand.u32 $0xFFFFFFF0, v52  }
0x4a: {  	v3 =	vor.u32 v3, v4  }
0x4b: {  	v4 =	vperm.xlane v3, v0;
	_ =	sdelay $0x1  }
0x4c: {  	v3 =	vperm.xlane v3, v2;
	v4 =	vadd.s32 v1, v4;
	_ =	sdelay $0x1  }
0x4d: {  	v3 =	vadd.s32 v1, v3;
	_ =	sdelay $0x1  }
0x4e: {  	s7 =	simm.s32 $0x4100  }
0x4f: {  	[tilespmem:s7], [sflag:$0x1] =	stream.indirect_vreg.gather [hbm4b:s1+s3], $0x80, v4, vm0, $0xb8;
	[tilespmem:$0x10100] =	vst v63  }
0x50: {  	_ = 	snop  }
0x51: {  	[tilespmem:s8], [sflag:$0x1] =	stream.indirect_vreg.gather [hbm4b:s1+s3], $0x80, v3, vm0, $0xb8;
	[tilespmem:$0x10100] =	vst v63  }
0x52: {  	v3 =	vld [tilespmem:$0x50];
	_ =	sdelay $0x4  }
0x53: {  	v53 =	vshll.u32 v3, $0x1  }
0x54: {  	v3 =	vand.u32 $0x7, v3;
	v4 =	vand.u32 $0xFFFFFFF0, v53  }
0x55: {  	v3 =	vor.u32 v3, v4  }
0x56: {  	v4 =	vperm.xlane v3, v0;
	_ =	sdelay $0x1  }
0x57: {  	v3 =	vperm.xlane v3, v2;
	v4 =	vadd.s32 v1, v4;
	_ =	sdelay $0x1  }
0x58: {  	v3 =	vadd.s32 v1, v3;
	_ =	sdelay $0x2  }
0x59: {  	[tilespmem:s9], [sflag:$0x1] =	stream.indirect_vreg.gather [hbm4b:s1+s3], $0x80, v4, vm0, $0xb8;
	[tilespmem:$0x10100] =	vst v63  }
0x5a: {  	_ = 	snop  }
0x5b: {  	[tilespmem:s10], [sflag:$0x1] =	stream.indirect_vreg.gather [hbm4b:s1+s3], $0x80, v3, vm0, $0xb8;
	[tilespmem:$0x10100] =	vst v63  }
0x5c: {  	v3 =	vld [tilespmem:$0x60];
	_ =	sdelay $0x4  }
0x5d: {  	v54 =	vshll.u32 v3, $0x1  }
0x5e: {  	v3 =	vand.u32 $0x7, v3;
	v4 =	vand.u32 $0xFFFFFFF0, v54  }
0x5f: {  	v3 =	vor.u32 v3, v4  }
0x60: {  	v4 =	vperm.xlane v3, v0;
	_ =	sdelay $0x1  }
0x61: {  	v3 =	vperm.xlane v3, v2;
	v4 =	vadd.s32 v1, v4;
	_ =	sdelay $0x1  }
0x62: {  	v3 =	vadd.s32 v1, v3;
	_ =	sdelay $0x2  }
0x63: {  	[tilespmem:s11], [sflag:$0x1] =	stream.indirect_vreg.gather [hbm4b:s1+s3], $0x80, v4, vm0, $0xb8;
	[tilespmem:$0x10100] =	vst v63  }
0x64: {  	_ = 	snop  }
0x65: {  	[tilespmem:s12], [sflag:$0x1] =	stream.indirect_vreg.gather [hbm4b:s1+s3], $0x80, v3, vm0, $0xb8;
	[tilespmem:$0x10100] =	vst v63  }
0x66: {  	v3 =	vld [tilespmem:$0x70];
	_ =	sdelay $0x4  }
0x67: {  	v55 =	vshll.u32 v3, $0x1  }
0x68: {  	v3 =	vand.u32 $0x7, v3;
	v4 =	vand.u32 $0xFFFFFFF0, v55  }
0x69: {  	v3 =	vor.u32 v3, v4  }
0x6a: {  	v4 =	vperm.xlane v3, v0;
	_ =	sdelay $0x1  }
0x6b: {  	v3 =	vperm.xlane v3, v2;
	v4 =	vadd.s32 v1, v4;
	_ =	sdelay $0x1  }
0x6c: {  	v3 =	vadd.s32 v1, v3;
	_ =	sdelay $0x2  }
0x6d: {  	[tilespmem:s13], [sflag:$0x1] =	stream.indirect_vreg.gather [hbm4b:s1+s3], $0x80, v4, vm0, $0xb8;
	[tilespmem:$0x10100] =	vst v63  }
0x6e: {  	_ = 	snop  }
0x6f: {  	[tilespmem:s14], [sflag:$0x1] =	stream.indirect_vreg.gather [hbm4b:s1+s3], $0x80, v3, vm0, $0xb8;
	[tilespmem:$0x10100] =	vst v63  }
0x70: {  	v3 =	vld [tilespmem:$0x80];
	_ =	sdelay $0x4  }
0x71: {  	v56 =	vshll.u32 v3, $0x1  }
0x72: {  	v3 =	vand.u32 $0x7, v3;
	v4 =	vand.u32 $0xFFFFFFF0, v56  }
0x73: {  	v3 =	vor.u32 v3, v4  }
0x74: {  	v4 =	vperm.xlane v3, v0;
	_ =	sdelay $0x1  }
0x75: {  	v3 =	vperm.xlane v3, v2;
	v4 =	vadd.s32 v1, v4;
	_ =	sdelay $0x1  }
0x76: {  	v3 =	vadd.s32 v1, v3;
	_ =	sdelay $0x2  }
0x77: {  	[tilespmem:s15], [sflag:$0x1] =	stream.indirect_vreg.gather [hbm4b:s1+s3], $0x80, v4, vm0, $0xb8;
	[tilespmem:$0x10100] =	vst v63  }
0x78: {  	_ = 	snop  }
0x79: {  	[tilespmem:s16], [sflag:$0x1] =	stream.indirect_vreg.gather [hbm4b:s1+s3], $0x80, v3, vm0, $0xb8;
	[tilespmem:$0x10100] =	vst v63  }
0x7a: {  	v3 =	vld [tilespmem:$0x90];
	_ =	sdelay $0x4  }
0x7b: {  	v57 =	vshll.u32 v3, $0x1  }
0x7c: {  	v3 =	vand.u32 $0x7, v3;
	v4 =	vand.u32 $0xFFFFFFF0, v57  }
0x7d: {  	v3 =	vor.u32 v3, v4  }
0x7e: {  	v4 =	vperm.xlane v3, v0;
	_ =	sdelay $0x1  }
0x7f: {  	v3 =	vperm.xlane v3, v2;
	v4 =	vadd.s32 v1, v4;
	_ =	sdelay $0x1  }
0x80: {  	v3 =	vadd.s32 v1, v3;
	_ =	sdelay $0x2  }
0x81: {  	[tilespmem:s17], [sflag:$0x1] =	stream.indirect_vreg.gather [hbm4b:s1+s3], $0x80, v4, vm0, $0xb8;
	[tilespmem:$0x10100] =	vst v63  }
0x82: {  	_ = 	snop  }
0x83: {  	[tilespmem:s18], [sflag:$0x1] =	stream.indirect_vreg.gather [hbm4b:s1+s3], $0x80, v3, vm0, $0xb8;
	[tilespmem:$0x10100] =	vst v63  }
0x84: {  	v3 =	vld [tilespmem:$0xA0];
	_ =	sdelay $0x4  }
0x85: {  	v58 =	vshll.u32 v3, $0x1  }
0x86: {  	v3 =	vand.u32 $0x7, v3;
	v4 =	vand.u32 $0xFFFFFFF0, v58  }
0x87: {  	v3 =	vor.u32 v3, v4  }
0x88: {  	v4 =	vperm.xlane v3, v0;
	_ =	sdelay $0x1  }
0x89: {  	v3 =	vperm.xlane v3, v2;
	v4 =	vadd.s32 v1, v4;
	_ =	sdelay $0x1  }
0x8a: {  	v3 =	vadd.s32 v1, v3;
	_ =	sdelay $0x2  }
0x8b: {  	[tilespmem:s19], [sflag:$0x1] =	stream.indirect_vreg.gather [hbm4b:s1+s3], $0x80, v4, vm0, $0xb8;
	[tilespmem:$0x10100] =	vst v63  }
0x8c: {  	_ = 	snop  }
0x8d: {  	[tilespmem:s20], [sflag:$0x1] =	stream.indirect_vreg.gather [hbm4b:s1+s3], $0x80, v3, vm0, $0xb8;
	[tilespmem:$0x10100] =	vst v63  }
0x8e: {  	v3 =	vld [tilespmem:$0xB0];
	_ =	sdelay $0x4  }
0x8f: {  	v59 =	vshll.u32 v3, $0x1  }
0x90: {  	v3 =	vand.u32 $0x7, v3;
	v4 =	vand.u32 $0xFFFFFFF0, v59  }
0x91: {  	v3 =	vor.u32 v3, v4  }
0x92: {  	v4 =	vperm.xlane v3, v0;
	_ =	sdelay $0x1  }
0x93: {  	v3 =	vperm.xlane v3, v2;
	v4 =	vadd.s32 v1, v4;
	_ =	sdelay $0x1  }
0x94: {  	v3 =	vadd.s32 v1, v3;
	_ =	sdelay $0x2  }
0x95: {  	[tilespmem:s21], [sflag:$0x1] =	stream.indirect_vreg.gather [hbm4b:s1+s3], $0x80, v4, vm0, $0xb8;
	[tilespmem:$0x10100] =	vst v63  }
0x96: {  	_ = 	snop  }
0x97: {  	[tilespmem:s22], [sflag:$0x1] =	stream.indirect_vreg.gather [hbm4b:s1+s3], $0x80, v3, vm0, $0xb8;
	[tilespmem:$0x10100] =	vst v63  }
0x98: {  	v3 =	vld [tilespmem:$0xC0];
	_ =	sdelay $0x4  }
0x99: {  	v60 =	vshll.u32 v3, $0x1  }
0x9a: {  	v3 =	vand.u32 $0x7, v3;
	v4 =	vand.u32 $0xFFFFFFF0, v60  }
0x9b: {  	v3 =	vor.u32 v3, v4  }
0x9c: {  	v4 =	vperm.xlane v3, v0;
	_ =	sdelay $0x1  }
0x9d: {  	v3 =	vperm.xlane v3, v2;
	v4 =	vadd.s32 v1, v4;
	_ =	sdelay $0x1  }
0x9e: {  	v3 =	vadd.s32 v1, v3;
	_ =	sdelay $0x2  }
0x9f: {  	[tilespmem:s23], [sflag:$0x1] =	stream.indirect_vreg.gather [hbm4b:s1+s3], $0x80, v4, vm0, $0xb8;
	[tilespmem:$0x10100] =	vst v63  }
0xa0: {  	_ = 	snop  }
0xa1: {  	[tilespmem:s24], [sflag:$0x1] =	stream.indirect_vreg.gather [hbm4b:s1+s3], $0x80, v3, vm0, $0xb8;
	[tilespmem:$0x10100] =	vst v63  }
0xa2: {  	v3 =	vld [tilespmem:$0xD0];
	_ =	sdelay $0x4  }
0xa3: {  	v61 =	vshll.u32 v3, $0x1  }
0xa4: {  	v3 =	vand.u32 $0x7, v3;
	v4 =	vand.u32 $0xFFFFFFF0, v61  }
0xa5: {  	v3 =	vor.u32 v3, v4  }
0xa6: {  	v4 =	vperm.xlane v3, v0;
	_ =	sdelay $0x1  }
0xa7: {  	v3 =	vperm.xlane v3, v2;
	v4 =	vadd.s32 v1, v4;
	_ =	sdelay $0x1  }
0xa8: {  	v3 =	vadd.s32 v1, v3;
	_ =	sdelay $0x2  }
0xa9: {  	[tilespmem:s25], [sflag:$0x1] =	stream.indirect_vreg.gather [hbm4b:s1+s3], $0x80, v4, vm0, $0xb8;
	[tilespmem:$0x10100] =	vst v63  }
0xaa: {  	_ = 	snop  }
0xab: {  	[tilespmem:s26], [sflag:$0x1] =	stream.indirect_vreg.gather [hbm4b:s1+s3], $0x80, v3, vm0, $0xb8;
	[tilespmem:$0x10100] =	vst v63  }
0xac: {  	v3 =	vld [tilespmem:$0xE0];
	_ =	sdelay $0x4  }
0xad: {  	v62 =	vshll.u32 v3, $0x1  }
0xae: {  	v3 =	vand.u32 $0x7, v3;
	v4 =	vand.u32 $0xFFFFFFF0, v62  }
0xaf: {  	v3 =	vor.u32 v3, v4  }
0xb0: {  	v4 =	vperm.xlane v3, v0;
	_ =	sdelay $0x1  }
0xb1: {  	v3 =	vperm.xlane v3, v2;
	v4 =	vadd.s32 v1, v4;
	_ =	sdelay $0x1  }
0xb2: {  	v3 =	vadd.s32 v1, v3;
	_ =	sdelay $0x2  }
0xb3: {  	[tilespmem:s28], [sflag:$0x1] =	stream.indirect_vreg.gather [hbm4b:s1+s3], $0x80, v4, vm0, $0xb8;
	[tilespmem:$0x10100] =	vst v63  }
0xb4: {  	_ = 	snop  }
0xb5: {  	[tilespmem:s29], [sflag:$0x1] =	stream.indirect_vreg.gather [hbm4b:s1+s3], $0x80, v3, vm0, $0xb8;
	[tilespmem:$0x10100] =	vst v63  }
0xb6: {  	v3 =	vld [tilespmem:$0xF0];
	_ =	sdelay $0x4  }
0xb7: {  	v63 =	vshll.u32 v3, $0x1  }
0xb8: {  	v3 =	vand.u32 $0x7, v3;
	v4 =	vand.u32 $0xFFFFFFF0, v63  }
0xb9: {  	v3 =	vor.u32 v3, v4  }
0xba: {  	v4 =	vperm.xlane v3, v0;
	_ =	sdelay $0x1  }
0xbb: {  	v3 =	vperm.xlane v3, v2;
	v4 =	vadd.s32 v1, v4;
	_ =	sdelay $0x1  }
0xbc: {  	v3 =	vadd.s32 v1, v3;
	_ =	sdelay $0x2  }
0xbd: {  	[tilespmem:s30], [sflag:$0x1] =	stream.indirect_vreg.gather [hbm4b:s1+s3], $0x80, v4, vm0, $0xb8;
	[tilespmem:$0x10100] =	vst v63  }
0xbe: {  	_ = 	snop  }
0xbf: {  	[tilespmem:s31], [sflag:$0x1] =	stream.indirect_vreg.gather [hbm4b:s1+s3], $0x80, v3, vm0, $0xb8;
	[tilespmem:$0x10100] =	vst v63  }
0xc0: {  	_ =	swait.ge [sflag:s2], $0x10000  }
0xc1: {  	p0 =	sne.s32 s4, $0x1;
	[sflag:s2] =	ssyncset.done $0x0  }
.Ltmp0:
0xc2: {  	s7 =	rddreg [dreg:$0x5];
	[sflag:s2] =	ssyncadd.s32 $0xFFFF0000;
	(pc) =	sbr.rel @p0 .LBB2_1-.Ltmp0, $4  }
0xc3: {  	[hbm4b:s7+s3] =	stream.linear.scatter [tilespmem:s6], [sflag:$0x2], $0x10000, $0x38;
	[tilespmem:$0x10100] =	vst v63  }
0xc4: {  	_ =	swait.ge [sflag:s5], $0x10000  }
0xc5: {  	[sflag:s5] =	ssyncset.done $0x0  }
0xc6: {  	s4 =	sadd.s32 $0xFFFFFFFF, s4;
	[sflag:s5] =	ssyncadd.s32 $0xFFFF0000  }
0xc7: {  	_ =	sfence.sel $0x180000  }
0xc8: {  	[bflag:$0x0] =	sbarrier.arrive $0xFFFF  }
0xc9: {  	_ =	strace $0x90000047  }
0xca: {  	s0 =	stileid.u32;
	[bflag:$0x2] =	sbarrier.arrive $0xFFFF  }
0xcb: {  	p0 =	sne.s32 s0, $0x0;
	s0 =	rddreg [dreg:$0x3]  }
0xcc: {  	s0 =	sadd.s32 @!p0 $0x100000, s0  }
0xcd: {  	[sflag:s0] =	ssyncadd.tile.s32 @!p0 $0x1;
	_ =	shalt  }
.Lfunc_end2:
_tile_overlayer_lowered:
.L_overlay_start_2:
0xce: {  	(tag) =	ssettag $0x2  }
0xcf: {  	s0 =	rddreg [dreg:$0x0];
	s2 =	stileid.u32  }
0xd0: {  	s1 =	rddreg [dreg:$0x1];
	p0 =	sne.s32 s2, $0x0  }
0xd1: {  	s3 =	rddreg [dreg:$0x2];
	[bflag:$0x3] =	sbarrier.arrive $0xFFFF;
	s2 =	simm.s32 @!p0 $0x1C02  }
0xd2: {  	[timem:s3], [sflag:s2] =	dma.local @!p0 [hbm:s0], s1  }
0xd3: {  	s0 =	simm.s32 @!p0 $0x2  }
0xd4: {  	_ =	swait.ge @!p0 [sflag:s0], s1  }
0xd5: {  	s1 =	ssub.s32 @!p0 $0x0, s1;
	[sflag:s0] =	ssyncset.done @!p0 $0x0  }
0xd6: {  	[sflag:s0] =	ssyncadd.s32 @!p0 s1  }
0xd7: {  	[bflag:$0x3] =	sbarrier.arrive $0xFFFF  }
0xd8: {  	_ =	shalt  }

</sc_bundles>
